<compile_context>
chip_gen: v7x
topology: tpu7x:2x2x1
jax: 0.10.2.dev20260603
libtpu: 0.0.44.dev20260713+nightly
codegen_flags: <defaults>
</compile_context>

<pallas_src>
import functools

import jax
import jax.numpy as jnp
from jax import lax
from jax.experimental import pallas as pl
from jax.experimental.pallas import tpu as pltpu
from jax.experimental.pallas import tpu_sc as plsc

_GROWS = 16
_SLAB = 128
_NW = 32


def _make_gather(dim: int, b: int, s: int):
    rows_w = b // _NW
    npairs = rows_w // (2 * _GROWS)
    pairs_per_slab = _SLAB // (2 * _GROWS)
    mesh = plsc.VectorSubcoreMesh(core_axis_name="c", subcore_axis_name="s")

    @functools.partial(
        pl.kernel,
        mesh=mesh,
        out_type=jax.ShapeDtypeStruct((b, s, dim), jnp.float32),
        compiler_params=pltpu.CompilerParams(use_tc_tiling_on_sc=True),
        scratch_types=[
            pltpu.VMEM((_SLAB, s), jnp.int32),
            pltpu.VMEM((_GROWS, s, dim), jnp.float32),
            pltpu.VMEM((_GROWS, s, dim), jnp.float32),
            pltpu.SemaphoreType.DMA,
            pltpu.SemaphoreType.DMA,
            pltpu.SemaphoreType.DMA,
            pltpu.SemaphoreType.DMA,
        ],
    )
    def gather_kernel(idx_hbm, table_hbm, out_hbm, idx_v, st0, st1, g0, g1, w0, w1):
        stage = (st0, st1)
        gsem = (g0, g1)
        wsem = (w0, w1)
        wid = lax.axis_index("s") * 2 + lax.axis_index("c")
        base = wid * rows_w

        def pair(g2, carry):
            @pl.when(g2 % pairs_per_slab == 0)
            def _():
                pltpu.sync_copy(
                    idx_hbm.at[pl.ds(base + (g2 // pairs_per_slab) * _SLAB, _SLAB)],
                    idx_v,
                )

            for p in range(2):
                grow0 = (g2 * 2 + p) * _GROWS
                srow0 = (g2 % pairs_per_slab) * 2 * _GROWS + p * _GROWS

                @pl.when(g2 > 0)
                def _():
                    pltpu.make_async_copy(
                        out_hbm.at[pl.ds(0, _GROWS)], stage[p], wsem[p]
                    ).wait()

                def row(r, c):
                    va = idx_v[srow0 + r, pl.ds(0, 16)]
                    vb = idx_v[srow0 + r, pl.ds(s - 16, 16)]
                    for t in range(s):
                        rid = va[t] if t < 16 else vb[t - (s - 16)]
                        pltpu.async_copy(
                            table_hbm.at[pl.ds(rid, 1)],
                            stage[p].at[r].at[pl.ds(t, 1)],
                            gsem[p],
                        )
                    return c

                lax.fori_loop(0, _GROWS, row, 0)
                pltpu.make_async_copy(
                    out_hbm.at[pl.ds(0, _GROWS)], stage[p], gsem[p]
                ).wait()
                pltpu.async_copy(
                    stage[p],
                    out_hbm.at[pl.ds(base + grow0, _GROWS)],
                    wsem[p],
                )
            return carry

        lax.fori_loop(0, npairs, pair, 0)
        for p in range(2):
            pltpu.make_async_copy(
                out_hbm.at[pl.ds(0, _GROWS)], stage[p], wsem[p]
            ).wait()

    return gather_kernel


def kernel(token_ids, weight):
    b, s = token_ids.shape
    _, dim = weight.shape
    ids = token_ids.astype(jnp.int32)
    return _make_gather(dim, b, s)(ids, weight)

# --- scband reference (transcript-rebuilt; emitter-appended) ---
"""Pipeline reference for scband-embedding-85761906966939 (READ-ONLY COPY).

The authoritative reference and input builder live on the scoring server;
editing this copy changes nothing except your own understanding.
"""

import jax, jax.numpy as jnp
import numpy as np

NUM_EMBEDDINGS = 1000000
EMBEDDING_DIM = 32

def setup_inputs(seed: int = 0) -> dict:
    key = jax.random.key(seed)
    k_idx, k_w = jax.random.split(key)
    token_ids = jax.random.randint(k_idx, (16384, 20), 0, NUM_EMBEDDINGS, dtype=jnp.int64 if jax.config.jax_enable_x64 else jnp.int32)
    # trunc_normal init, std=1, a=-3, b=3
    weight = jax.random.truncated_normal(k_w, -3.0, 3.0, (NUM_EMBEDDINGS, EMBEDDING_DIM), dtype=jnp.float32)
    return {"token_ids": token_ids, "weight": weight}

def reference(token_ids, weight):
    # Faithful translation of: return self.weight[token_ids]
    return jnp.take(weight, token_ids, axis=0)

if __name__ == "__main__":
    import jax
    _d = setup_inputs()
    print(jax.jit(kernel)(*tuple(_d.values())))

</pallas_src>

<mosaic_0001>
#map = affine_map<(d0, d1) -> (0, 0)>
#map1 = affine_map<(d0, d1) -> (0, 0, 0)>
module attributes {stable_mosaic.version = 14 : i64} {
  func.func @gather_kernel(%arg0: i32, %arg1: i32, %arg2: memref<16384x20xi32, #tpu.memory_space<hbm>>, %arg3: memref<1000000x32xf32, #tpu.memory_space<hbm>>, %arg4: memref<16384x20x32xf32, #tpu.memory_space<hbm>>, %arg5: memref<128x20xi32, #tpu.memory_space<vmem>>, %arg6: memref<16x20x32xf32, #tpu.memory_space<vmem>>, %arg7: memref<16x20x32xf32, #tpu.memory_space<vmem>>, %arg8: memref<!tpu.dma_semaphore, #tpu.memory_space<semaphore_mem>>, %arg9: memref<!tpu.dma_semaphore, #tpu.memory_space<semaphore_mem>>, %arg10: memref<!tpu.dma_semaphore, #tpu.memory_space<semaphore_mem>>, %arg11: memref<!tpu.dma_semaphore, #tpu.memory_space<semaphore_mem>>) attributes {dimension_semantics = [#tpu.dimension_semantics<core_parallel>, #tpu.dimension_semantics<subcore_parallel>], iteration_bounds = array<i64: 2, 16>, scalar_prefetch = 0 : i64, scratch_operands = 7 : i64, tpu.core_type = #tpu.core_type<sc_vector_subcore>, window_params = [{transform_indices = #map}, {transform_indices = #map}, {transform_indices = #map1}]} {
    %mul3A = arith.constant 2 : i32
    %mul3A_0 = arith.muli %arg1, %mul3A : i32
    %add3A = arith.addi %mul3A_0, %arg0 : i32
    %mul3A_1 = arith.constant 512 : i32
    %mul3A_2 = arith.muli %add3A, %mul3A_1 : i32
    %scan3A = arith.constant 0 : i32
    %scan3A_3 = arith.constant 0 : i32
    %scan3A_4 = arith.constant 16 : i32
    %scan3A_5 = arith.addi %scan3A_3, %scan3A_4 : i32
    %scan3A_6 = arith.constant 1 : i32
    scf.for %scan3A_23 = %scan3A_3 to %scan3A_5 step %scan3A_6  : i32 {
      %jit3A = arith.constant 4 : i32
      %eq3A = arith.constant 0 : i32
      %eq3A_24 = arith.cmpi eq, %jit3A, %eq3A : i32
      %jit3A_25 = arith.constant 1 : i32
      %select_n3A = arith.select %eq3A_24, %jit3A_25, %jit3A : i32
      %rem3A = arith.remsi %scan3A_23, %select_n3A : i32
      %ne3A = arith.constant 0 : i32
      %ne3A_26 = arith.cmpi ne, %rem3A, %ne3A : i32
      %lt3A = arith.constant 0 : i32
      %lt3A_27 = arith.cmpi slt, %rem3A, %lt3A : i32
      %lt3A_28 = arith.constant 0 : i32
      %lt3A_29 = arith.cmpi slt, %select_n3A, %lt3A_28 : i32
      %ne3A_30 = arith.xori %lt3A_27, %lt3A_29 : i1
      %and3A = arith.andi %ne3A_30, %ne3A_26 : i1
      %add3A_31 = arith.addi %rem3A, %select_n3A : i32
      %select_n3A_32 = arith.select %and3A, %add3A_31, %rem3A : i32
      %eq3A_33 = arith.constant 0 : i32
      %eq3A_34 = arith.cmpi eq, %select_n3A_32, %eq3A_33 : i32
      %convert_element_type3A = arith.extui %eq3A_34 : i1 to i32
      %cond3A = arith.constant 0 : i32
      %cond3A_35 = arith.cmpi ne, %convert_element_type3A, %cond3A : i32
      scf.if %cond3A_35 {
        %jit3A_142 = arith.constant 4 : i32
        %div3A = arith.divsi %scan3A_23, %jit3A_142 : i32
        %sign3A = arith.constant 0 : i32
        %sign3A_143 = arith.cmpi sgt, %scan3A_23, %sign3A : i32
        %sign3A_144 = arith.extui %sign3A_143 : i1 to i32
        %sign3A_145 = arith.constant 0 : i32
        %sign3A_146 = arith.cmpi slt, %scan3A_23, %sign3A_145 : i32
        %sign3A_147 = arith.extui %sign3A_146 : i1 to i32
        %sign3A_148 = arith.subi %sign3A_144, %sign3A_147 : i32
        %sign3A_149 = arith.constant 0 : i32
        %sign3A_150 = arith.cmpi sgt, %jit3A_142, %sign3A_149 : i32
        %sign3A_151 = arith.extui %sign3A_150 : i1 to i32
        %sign3A_152 = arith.constant 0 : i32
        %sign3A_153 = arith.cmpi slt, %jit3A_142, %sign3A_152 : i32
        %sign3A_154 = arith.extui %sign3A_153 : i1 to i32
        %sign3A_155 = arith.subi %sign3A_151, %sign3A_154 : i32
        %ne3A_156 = arith.cmpi ne, %sign3A_148, %sign3A_155 : i32
        %rem3A_157 = arith.remsi %scan3A_23, %jit3A_142 : i32
        %ne3A_158 = arith.constant 0 : i32
        %ne3A_159 = arith.cmpi ne, %rem3A_157, %ne3A_158 : i32
        %and3A_160 = arith.andi %ne3A_156, %ne3A_159 : i1
        %sub3A = arith.constant 1 : i32
        %sub3A_161 = arith.subi %div3A, %sub3A : i32
        %select_n3A_162 = arith.select %and3A_160, %sub3A_161, %div3A : i32
        %mul3A_163 = arith.constant 128 : i32
        %mul3A_164 = arith.muli %select_n3A_162, %mul3A_163 : i32
        %add3A_165 = arith.addi %mul3A_2, %mul3A_164 : i32
        "tpu.region"() ({
          %run_scoped3A = tpu.sem_alloc : memref<!tpu.dma_semaphore, #tpu.memory_space<semaphore_mem>>
          %dma_start3A_166 = arith.constant 0 : i32
          %dma_start3A_167 = tpu.memref_slice %arg2[%add3A_165, %dma_start3A_166] : memref<16384x20xi32, #tpu.memory_space<hbm>> -> memref<128x20xi32, #tpu.memory_space<hbm>>
          %dma_start3A_168 = arith.constant 0 : i32
          %dma_start3A_169 = tpu.memref_slice %arg2[%add3A_165, %dma_start3A_168] : memref<16384x20xi32, #tpu.memory_space<hbm>> -> memref<128x20xi32, #tpu.memory_space<hbm>>
          tpu.enqueue_dma source(%dma_start3A_169 : memref<128x20xi32, #tpu.memory_space<hbm>>) target(%arg5 : memref<128x20xi32, #tpu.memory_space<vmem>>) target_semaphore(%run_scoped3A : memref<!tpu.dma_semaphore, #tpu.memory_space<semaphore_mem>>)
          %dma_wait3A_170 = arith.constant 0 : i32
          %dma_wait3A_171 = tpu.memref_slice %arg2[%add3A_165, %dma_wait3A_170] : memref<16384x20xi32, #tpu.memory_space<hbm>> -> memref<128x20xi32, #tpu.memory_space<hbm>>
          %dma_wait3A_172 = arith.constant 0 : i32
          %dma_wait3A_173 = tpu.memref_slice %arg2[%add3A_165, %dma_wait3A_172] : memref<16384x20xi32, #tpu.memory_space<hbm>> -> memref<128x20xi32, #tpu.memory_space<hbm>>
          tpu.wait_dma2 semaphore(%run_scoped3A : memref<!tpu.dma_semaphore, #tpu.memory_space<semaphore_mem>>) src(%dma_wait3A_173 : memref<128x20xi32, #tpu.memory_space<hbm>>) dst(%arg5 : memref<128x20xi32, #tpu.memory_space<vmem>>)
          tpu.yield
        }) : () -> ()
      } else {
      }
      %mul3A_36 = arith.constant 2 : i32
      %mul3A_37 = arith.muli %scan3A_23, %mul3A_36 : i32
      %add3A_38 = arith.constant 0 : i32
      %add3A_39 = arith.addi %mul3A_37, %add3A_38 : i32
      %mul3A_40 = arith.constant 16 : i32
      %mul3A_41 = arith.muli %add3A_39, %mul3A_40 : i32
      %jit3A_42 = arith.constant 4 : i32
      %eq3A_43 = arith.constant 0 : i32
      %eq3A_44 = arith.cmpi eq, %jit3A_42, %eq3A_43 : i32
      %jit3A_45 = arith.constant 1 : i32
      %select_n3A_46 = arith.select %eq3A_44, %jit3A_45, %jit3A_42 : i32
      %rem3A_47 = arith.remsi %scan3A_23, %select_n3A_46 : i32
      %ne3A_48 = arith.constant 0 : i32
      %ne3A_49 = arith.cmpi ne, %rem3A_47, %ne3A_48 : i32
      %lt3A_50 = arith.constant 0 : i32
      %lt3A_51 = arith.cmpi slt, %rem3A_47, %lt3A_50 : i32
      %lt3A_52 = arith.constant 0 : i32
      %lt3A_53 = arith.cmpi slt, %select_n3A_46, %lt3A_52 : i32
      %ne3A_54 = arith.xori %lt3A_51, %lt3A_53 : i1
      %and3A_55 = arith.andi %ne3A_54, %ne3A_49 : i1
      %add3A_56 = arith.addi %rem3A_47, %select_n3A_46 : i32
      %select_n3A_57 = arith.select %and3A_55, %add3A_56, %rem3A_47 : i32
      %mul3A_58 = arith.constant 2 : i32
      %mul3A_59 = arith.muli %select_n3A_57, %mul3A_58 : i32
      %mul3A_60 = arith.constant 16 : i32
      %mul3A_61 = arith.muli %mul3A_59, %mul3A_60 : i32
      %add3A_62 = arith.constant 0 : i32
      %add3A_63 = arith.addi %mul3A_61, %add3A_62 : i32
      %gt3A = arith.constant 0 : i32
      %gt3A_64 = arith.cmpi sgt, %scan3A_23, %gt3A : i32
      %convert_element_type3A_65 = arith.extui %gt3A_64 : i1 to i32
      %cond3A_66 = arith.constant 0 : i32
      %cond3A_67 = arith.cmpi ne, %convert_element_type3A_65, %cond3A_66 : i32
      scf.if %cond3A_67 {
        %dma_wait3A_142 = arith.constant 0 : i32
        %dma_wait3A_143 = arith.constant 0 : i32
        %dma_wait3A_144 = arith.constant 0 : i32
        %dma_wait3A_145 = tpu.memref_slice %arg4[%dma_wait3A_142, %dma_wait3A_143, %dma_wait3A_144] : memref<16384x20x32xf32, #tpu.memory_space<hbm>> -> memref<16x20x32xf32, #tpu.memory_space<hbm>>
        %dma_wait3A_146 = arith.constant 0 : i32
        %dma_wait3A_147 = arith.constant 0 : i32
        %dma_wait3A_148 = arith.constant 0 : i32
        %dma_wait3A_149 = tpu.memref_slice %arg4[%dma_wait3A_146, %dma_wait3A_147, %dma_wait3A_148] : memref<16384x20x32xf32, #tpu.memory_space<hbm>> -> memref<16x20x32xf32, #tpu.memory_space<hbm>>
        tpu.wait_dma2 semaphore(%arg10 : memref<!tpu.dma_semaphore, #tpu.memory_space<semaphore_mem>>) src(%dma_wait3A_149 : memref<16x20x32xf32, #tpu.memory_space<hbm>>) dst(%arg6 : memref<16x20x32xf32, #tpu.memory_space<vmem>>)
      } else {
      }
      %scan3A_68 = arith.constant 0 : i32
      %scan3A_69 = arith.constant 0 : i32
      %scan3A_70 = arith.constant 16 : i32
      %scan3A_71 = arith.addi %scan3A_69, %scan3A_70 : i32
      %scan3A_72 = arith.constant 1 : i32
      scf.for %scan3A_142 = %scan3A_69 to %scan3A_71 step %scan3A_72  : i32 {
        %add3A_143 = arith.addi %add3A_63, %scan3A_142 : i32
        %get3A = arith.index_cast %add3A_143 : i32 to index
        %get3A_144 = arith.constant 0 : index
        %get3A_145 = tpu.vector_load %arg5[%get3A, %get3A_144] {strides = array<i32>} : memref<128x20xi32, #tpu.memory_space<vmem>>, vector<1x16xi32>,
        %get3A_146 = vector.shape_cast %get3A_145 : vector<1x16xi32> to vector<16xi32>
        %add3A_147 = arith.addi %add3A_63, %scan3A_142 : i32
        %get3A_148 = arith.index_cast %add3A_147 : i32 to index
        %get3A_149 = arith.constant 4 : index
        %get3A_150 = tpu.vector_load %arg5[%get3A_148, %get3A_149] {strides = array<i32>} : memref<128x20xi32, #tpu.memory_space<vmem>>, vector<1x16xi32>,
        %get3A_151 = vector.shape_cast %get3A_150 : vector<1x16xi32> to vector<16xi32>
        %slice3A = vector.extract_strided_slice %get3A_146 {offsets = [0], sizes = [1], strides = [1]} : vector<16xi32> to vector<1xi32>
        %squeeze3A = vector.extract %slice3A[0] : i32 from vector<1xi32>
        %dma_start3A_152 = arith.constant 0 : i32
        %dma_start3A_153 = arith.constant 0 : i32
        %dma_start3A_154 = tpu.memref_slice %arg6[%scan3A_142, %dma_start3A_152, %dma_start3A_153] : memref<16x20x32xf32, #tpu.memory_space<vmem>> -> memref<1x20x32xf32, #tpu.memory_space<vmem>>
        %dma_start3A_155 = tpu.memref_squeeze %dma_start3A_154 : memref<1x20x32xf32, #tpu.memory_space<vmem>> -> memref<20x32xf32, #tpu.memory_space<vmem>>
        %dma_start3A_156 = arith.constant 0 : i32
        %dma_start3A_157 = arith.constant 0 : i32
        %dma_start3A_158 = tpu.memref_slice %dma_start3A_155[%dma_start3A_156, %dma_start3A_157] : memref<20x32xf32, #tpu.memory_space<vmem>> -> memref<1x32xf32, #tpu.memory_space<vmem>>
        %dma_start3A_159 = arith.constant 0 : i32
        %dma_start3A_160 = tpu.memref_slice %arg3[%squeeze3A, %dma_start3A_159] : memref<1000000x32xf32, #tpu.memory_space<hbm>> -> memref<1x32xf32, #tpu.memory_space<hbm>>
        %dma_start3A_161 = arith.constant 0 : i32
        %dma_start3A_162 = arith.constant 0 : i32
        %dma_start3A_163 = tpu.memref_slice %arg6[%scan3A_142, %dma_start3A_161, %dma_start3A_162] : memref<16x20x32xf32, #tpu.memory_space<vmem>> -> memref<1x20x32xf32, #tpu.memory_space<vmem>>
        %dma_start3A_164 = tpu.memref_squeeze %dma_start3A_163 : memref<1x20x32xf32, #tpu.memory_space<vmem>> -> memref<20x32xf32, #tpu.memory_space<vmem>>
        %dma_start3A_165 = arith.constant 0 : i32
        %dma_start3A_166 = arith.constant 0 : i32
        %dma_start3A_167 = tpu.memref_slice %dma_start3A_164[%dma_start3A_165, %dma_start3A_166] : memref<20x32xf32, #tpu.memory_space<vmem>> -> memref<1x32xf32, #tpu.memory_space<vmem>>
        %dma_start3A_168 = arith.constant 0 : i32
        %dma_start3A_169 = tpu.memref_slice %arg3[%squeeze3A, %dma_start3A_168] : memref<1000000x32xf32, #tpu.memory_space<hbm>> -> memref<1x32xf32, #tpu.memory_space<hbm>>
        tpu.enqueue_dma source(%dma_start3A_169 : memref<1x32xf32, #tpu.memory_space<hbm>>) target(%dma_start3A_167 : memref<1x32xf32, #tpu.memory_space<vmem>>) target_semaphore(%arg8 : memref<!tpu.dma_semaphore, #tpu.memory_space<semaphore_mem>>)
        %slice3A_170 = vector.extract_strided_slice %get3A_146 {offsets = [1], sizes = [1], strides = [1]} : vector<16xi32> to vector<1xi32>
        %squeeze3A_171 = vector.extract %slice3A_170[0] : i32 from vector<1xi32>
        %dma_start3A_172 = arith.constant 0 : i32
        %dma_start3A_173 = arith.constant 0 : i32
        %dma_start3A_174 = tpu.memref_slice %arg6[%scan3A_142, %dma_start3A_172, %dma_start3A_173] : memref<16x20x32xf32, #tpu.memory_space<vmem>> -> memref<1x20x32xf32, #tpu.memory_space<vmem>>
        %dma_start3A_175 = tpu.memref_squeeze %dma_start3A_174 : memref<1x20x32xf32, #tpu.memory_space<vmem>> -> memref<20x32xf32, #tpu.memory_space<vmem>>
        %dma_start3A_176 = arith.constant 1 : i32
        %dma_start3A_177 = arith.constant 0 : i32
        %dma_start3A_178 = tpu.memref_slice %dma_start3A_175[%dma_start3A_176, %dma_start3A_177] : memref<20x32xf32, #tpu.memory_space<vmem>> -> memref<1x32xf32, #tpu.memory_space<vmem>>
        %dma_start3A_179 = arith.constant 0 : i32
        %dma_start3A_180 = tpu.memref_slice %arg3[%squeeze3A_171, %dma_start3A_179] : memref<1000000x32xf32, #tpu.memory_space<hbm>> -> memref<1x32xf32, #tpu.memory_space<hbm>>
        %dma_start3A_181 = arith.constant 0 : i32
        %dma_start3A_182 = arith.constant 0 : i32
        %dma_start3A_183 = tpu.memref_slice %arg6[%scan3A_142, %dma_start3A_181, %dma_start3A_182] : memref<16x20x32xf32, #tpu.memory_space<vmem>> -> memref<1x20x32xf32, #tpu.memory_space<vmem>>
        %dma_start3A_184 = tpu.memref_squeeze %dma_start3A_183 : memref<1x20x32xf32, #tpu.memory_space<vmem>> -> memref<20x32xf32, #tpu.memory_space<vmem>>
        %dma_start3A_185 = arith.constant 1 : i32
        %dma_start3A_186 = arith.constant 0 : i32
        %dma_start3A_187 = tpu.memref_slice %dma_start3A_184[%dma_start3A_185, %dma_start3A_186] : memref<20x32xf32, #tpu.memory_space<vmem>> -> memref<1x32xf32, #tpu.memory_space<vmem>>
        %dma_start3A_188 = arith.constant 0 : i32
        %dma_start3A_189 = tpu.memref_slice %arg3[%squeeze3A_171, %dma_start3A_188] : memref<1000000x32xf32, #tpu.memory_space<hbm>> -> memref<1x32xf32, #tpu.memory_space<hbm>>
        tpu.enqueue_dma source(%dma_start3A_189 : memref<1x32xf32, #tpu.memory_space<hbm>>) target(%dma_start3A_187 : memref<1x32xf32, #tpu.memory_space<vmem>>) target_semaphore(%arg8 : memref<!tpu.dma_semaphore, #tpu.memory_space<semaphore_mem>>)
        %slice3A_190 = vector.extract_strided_slice %get3A_146 {offsets = [2], sizes = [1], strides = [1]} : vector<16xi32> to vector<1xi32>
        %squeeze3A_191 = vector.extract %slice3A_190[0] : i32 from vector<1xi32>
        %dma_start3A_192 = arith.constant 0 : i32
        %dma_start3A_193 = arith.constant 0 : i32
        %dma_start3A_194 = tpu.memref_slice %arg6[%scan3A_142, %dma_start3A_192, %dma_start3A_193] : memref<16x20x32xf32, #tpu.memory_space<vmem>> -> memref<1x20x32xf32, #tpu.memory_space<vmem>>
        %dma_start3A_195 = tpu.memref_squeeze %dma_start3A_194 : memref<1x20x32xf32, #tpu.memory_space<vmem>> -> memref<20x32xf32, #tpu.memory_space<vmem>>
        %dma_start3A_196 = arith.constant 2 : i32
        %dma_start3A_197 = arith.constant 0 : i32
        %dma_start3A_198 = tpu.memref_slice %dma_start3A_195[%dma_start3A_196, %dma_start3A_197] : memref<20x32xf32, #tpu.memory_space<vmem>> -> memref<1x32xf32, #tpu.memory_space<vmem>>
        %dma_start3A_199 = arith.constant 0 : i32
        %dma_start3A_200 = tpu.memref_slice %arg3[%squeeze3A_191, %dma_start3A_199] : memref<1000000x32xf32, #tpu.memory_space<hbm>> -> memref<1x32xf32, #tpu.memory_space<hbm>>
        %dma_start3A_201 = arith.constant 0 : i32
        %dma_start3A_202 = arith.constant 0 : i32
        %dma_start3A_203 = tpu.memref_slice %arg6[%scan3A_142, %dma_start3A_201, %dma_start3A_202] : memref<16x20x32xf32, #tpu.memory_space<vmem>> -> memref<1x20x32xf32, #tpu.memory_space<vmem>>
        %dma_start3A_204 = tpu.memref_squeeze %dma_start3A_203 : memref<1x20x32xf32, #tpu.memory_space<vmem>> -> memref<20x32xf32, #tpu.memory_space<vmem>>
        %dma_start3A_205 = arith.constant 2 : i32
        %dma_start3A_206 = arith.constant 0 : i32
        %dma_start3A_207 = tpu.memref_slice %dma_start3A_204[%dma_start3A_205, %dma_start3A_206] : memref<20x32xf32, #tpu.memory_space<vmem>> -> memref<1x32xf32, #tpu.memory_space<vmem>>
        %dma_start3A_208 = arith.constant 0 : i32
        %dma_start3A_209 = tpu.memref_slice %arg3[%squeeze3A_191, %dma_start3A_208] : memref<1000000x32xf32, #tpu.memory_space<hbm>> -> memref<1x32xf32, #tpu.memory_space<hbm>>
        tpu.enqueue_dma source(%dma_start3A_209 : memref<1x32xf32, #tpu.memory_space<hbm>>) target(%dma_start3A_207 : memref<1x32xf32, #tpu.memory_space<vmem>>) target_semaphore(%arg8 : memref<!tpu.dma_semaphore, #tpu.memory_space<semaphore_mem>>)
        %slice3A_210 = vector.extract_strided_slice %get3A_146 {offsets = [3], sizes = [1], strides = [1]} : vector<16xi32> to vector<1xi32>
        %squeeze3A_211 = vector.extract %slice3A_210[0] : i32 from vector<1xi32>
        %dma_start3A_212 = arith.constant 0 : i32
        %dma_start3A_213 = arith.constant 0 : i32
        %dma_start3A_214 = tpu.memref_slice %arg6[%scan3A_142, %dma_start3A_212, %dma_start3A_213] : memref<16x20x32xf32, #tpu.memory_space<vmem>> -> memref<1x20x32xf32, #tpu.memory_space<vmem>>
        %dma_start3A_215 = tpu.memref_squeeze %dma_start3A_214 : memref<1x20x32xf32, #tpu.memory_space<vmem>> -> memref<20x32xf32, #tpu.memory_space<vmem>>
        %dma_start3A_216 = arith.constant 3 : i32
        %dma_start3A_217 = arith.constant 0 : i32
        %dma_start3A_218 = tpu.memref_slice %dma_start3A_215[%dma_start3A_216, %dma_start3A_217] : memref<20x32xf32, #tpu.memory_space<vmem>> -> memref<1x32xf32, #tpu.memory_space<vmem>>
        %dma_start3A_219 = arith.constant 0 : i32
        %dma_start3A_220 = tpu.memref_slice %arg3[%squeeze3A_211, %dma_start3A_219] : memref<1000000x32xf32, #tpu.memory_space<hbm>> -> memref<1x32xf32, #tpu.memory_space<hbm>>
        %dma_start3A_221 = arith.constant 0 : i32
        %dma_start3A_222 = arith.constant 0 : i32
        %dma_start3A_223 = tpu.memref_slice %arg6[%scan3A_142, %dma_start3A_221, %dma_start3A_222] : memref<16x20x32xf32, #tpu.memory_space<vmem>> -> memref<1x20x32xf32, #tpu.memory_space<vmem>>
        %dma_start3A_224 = tpu.memref_squeeze %dma_start3A_223 : memref<1x20x32xf32, #tpu.memory_space<vmem>> -> memref<20x32xf32, #tpu.memory_space<vmem>>
        %dma_start3A_225 = arith.constant 3 : i32
        %dma_start3A_226 = arith.constant 0 : i32
        %dma_start3A_227 = tpu.memref_slice %dma_start3A_224[%dma_start3A_225, %dma_start3A_226] : memref<20x32xf32, #tpu.memory_space<vmem>> -> memref<1x32xf32, #tpu.memory_space<vmem>>
        %dma_start3A_228 = arith.constant 0 : i32
        %dma_start3A_229 = tpu.memref_slice %arg3[%squeeze3A_211, %dma_start3A_228] : memref<1000000x32xf32, #tpu.memory_space<hbm>> -> memref<1x32xf32, #tpu.memory_space<hbm>>
        tpu.enqueue_dma source(%dma_start3A_229 : memref<1x32xf32, #tpu.memory_space<hbm>>) target(%dma_start3A_227 : memref<1x32xf32, #tpu.memory_space<vmem>>) target_semaphore(%arg8 : memref<!tpu.dma_semaphore, #tpu.memory_space<semaphore_mem>>)
        %slice3A_230 = vector.extract_strided_slice %get3A_146 {offsets = [4], sizes = [1], strides = [1]} : vector<16xi32> to vector<1xi32>
        %squeeze3A_231 = vector.extract %slice3A_230[0] : i32 from vector<1xi32>
        %dma_start3A_232 = arith.constant 0 : i32
        %dma_start3A_233 = arith.constant 0 : i32
        %dma_start3A_234 = tpu.memref_slice %arg6[%scan3A_142, %dma_start3A_232, %dma_start3A_233] : memref<16x20x32xf32, #tpu.memory_space<vmem>> -> memref<1x20x32xf32, #tpu.memory_space<vmem>>
        %dma_start3A_235 = tpu.memref_squeeze %dma_start3A_234 : memref<1x20x32xf32, #tpu.memory_space<vmem>> -> memref<20x32xf32, #tpu.memory_space<vmem>>
        %dma_start3A_236 = arith.constant 4 : i32
        %dma_start3A_237 = arith.constant 0 : i32
        %dma_start3A_238 = tpu.memref_slice %dma_start3A_235[%dma_start3A_236, %dma_start3A_237] : memref<20x32xf32, #tpu.memory_space<vmem>> -> memref<1x32xf32, #tpu.memory_space<vmem>>
        %dma_start3A_239 = arith.constant 0 : i32
        %dma_start3A_240 = tpu.memref_slice %arg3[%squeeze3A_231, %dma_start3A_239] : memref<1000000x32xf32, #tpu.memory_space<hbm>> -> memref<1x32xf32, #tpu.memory_space<hbm>>
        %dma_start3A_241 = arith.constant 0 : i32
        %dma_start3A_242 = arith.constant 0 : i32
        %dma_start3A_243 = tpu.memref_slice %arg6[%scan3A_142, %dma_start3A_241, %dma_start3A_242] : memref<16x20x32xf32, #tpu.memory_space<vmem>> -> memref<1x20x32xf32, #tpu.memory_space<vmem>>
        %dma_start3A_244 = tpu.memref_squeeze %dma_start3A_243 : memref<1x20x32xf32, #tpu.memory_space<vmem>> -> memref<20x32xf32, #tpu.memory_space<vmem>>
        %dma_start3A_245 = arith.constant 4 : i32
        %dma_start3A_246 = arith.constant 0 : i32
        %dma_start3A_247 = tpu.memref_slice %dma_start3A_244[%dma_start3A_245, %dma_start3A_246] : memref<20x32xf32, #tpu.memory_space<vmem>> -> memref<1x32xf32, #tpu.memory_space<vmem>>
        %dma_start3A_248 = arith.constant 0 : i32
        %dma_start3A_249 = tpu.memref_slice %arg3[%squeeze3A_231, %dma_start3A_248] : memref<1000000x32xf32, #tpu.memory_space<hbm>> -> memref<1x32xf32, #tpu.memory_space<hbm>>
        tpu.enqueue_dma source(%dma_start3A_249 : memref<1x32xf32, #tpu.memory_space<hbm>>) target(%dma_start3A_247 : memref<1x32xf32, #tpu.memory_space<vmem>>) target_semaphore(%arg8 : memref<!tpu.dma_semaphore, #tpu.memory_space<semaphore_mem>>)
        %slice3A_250 = vector.extract_strided_slice %get3A_146 {offsets = [5], sizes = [1], strides = [1]} : vector<16xi32> to vector<1xi32>
        %squeeze3A_251 = vector.extract %slice3A_250[0] : i32 from vector<1xi32>
        %dma_start3A_252 = arith.constant 0 : i32
        %dma_start3A_253 = arith.constant 0 : i32
        %dma_start3A_254 = tpu.memref_slice %arg6[%scan3A_142, %dma_start3A_252, %dma_start3A_253] : memref<16x20x32xf32, #tpu.memory_space<vmem>> -> memref<1x20x32xf32, #tpu.memory_space<vmem>>
        %dma_start3A_255 = tpu.memref_squeeze %dma_start3A_254 : memref<1x20x32xf32, #tpu.memory_space<vmem>> -> memref<20x32xf32, #tpu.memory_space<vmem>>
        %dma_start3A_256 = arith.constant 5 : i32
        %dma_start3A_257 = arith.constant 0 : i32
        %dma_start3A_258 = tpu.memref_slice %dma_start3A_255[%dma_start3A_256, %dma_start3A_257] : memref<20x32xf32, #tpu.memory_space<vmem>> -> memref<1x32xf32, #tpu.memory_space<vmem>>
        %dma_start3A_259 = arith.constant 0 : i32
        %dma_start3A_260 = tpu.memref_slice %arg3[%squeeze3A_251, %dma_start3A_259] : memref<1000000x32xf32, #tpu.memory_space<hbm>> -> memref<1x32xf32, #tpu.memory_space<hbm>>
        %dma_start3A_261 = arith.constant 0 : i32
        %dma_start3A_262 = arith.constant 0 : i32
        %dma_start3A_263 = tpu.memref_slice %arg6[%scan3A_142, %dma_start3A_261, %dma_start3A_262] : memref<16x20x32xf32, #tpu.memory_space<vmem>> -> memref<1x20x32xf32, #tpu.memory_space<vmem>>
        %dma_start3A_264 = tpu.memref_squeeze %dma_start3A_263 : memref<1x20x32xf32, #tpu.memory_space<vmem>> -> memref<20x32xf32, #tpu.memory_space<vmem>>
        %dma_start3A_265 = arith.constant 5 : i32
        %dma_start3A_266 = arith.constant 0 : i32
        %dma_start3A_267 = tpu.memref_slice %dma_start3A_264[%dma_start3A_265, %dma_start3A_266] : memref<20x32xf32, #tpu.memory_space<vmem>> -> memref<1x32xf32, #tpu.memory_space<vmem>>
        %dma_start3A_268 = arith.constant 0 : i32
        %dma_start3A_269 = tpu.memref_slice %arg3[%squeeze3A_251, %dma_start3A_268] : memref<1000000x32xf32, #tpu.memory_space<hbm>> -> memref<1x32xf32, #tpu.memory_space<hbm>>
        tpu.enqueue_dma source(%dma_start3A_269 : memref<1x32xf32, #tpu.memory_space<hbm>>) target(%dma_start3A_267 : memref<1x32xf32, #tpu.memory_space<vmem>>) target_semaphore(%arg8 : memref<!tpu.dma_semaphore, #tpu.memory_space<semaphore_mem>>)
        %slice3A_270 = vector.extract_strided_slice %get3A_146 {offsets = [6], sizes = [1], strides = [1]} : vector<16xi32> to vector<1xi32>
        %squeeze3A_271 = vector.extract %slice3A_270[0] : i32 from vector<1xi32>
        %dma_start3A_272 = arith.constant 0 : i32
        %dma_start3A_273 = arith.constant 0 : i32
        %dma_start3A_274 = tpu.memref_slice %arg6[%scan3A_142, %dma_start3A_272, %dma_start3A_273] : memref<16x20x32xf32, #tpu.memory_space<vmem>> -> memref<1x20x32xf32, #tpu.memory_space<vmem>>
        %dma_start3A_275 = tpu.memref_squeeze %dma_start3A_274 : memref<1x20x32xf32, #tpu.memory_space<vmem>> -> memref<20x32xf32, #tpu.memory_space<vmem>>
        %dma_start3A_276 = arith.constant 6 : i32
        %dma_start3A_277 = arith.constant 0 : i32
        %dma_start3A_278 = tpu.memref_slice %dma_start3A_275[%dma_start3A_276, %dma_start3A_277] : memref<20x32xf32, #tpu.memory_space<vmem>> -> memref<1x32xf32, #tpu.memory_space<vmem>>
        %dma_start3A_279 = arith.constant 0 : i32
        %dma_start3A_280 = tpu.memref_slice %arg3[%squeeze3A_271, %dma_start3A_279] : memref<1000000x32xf32, #tpu.memory_space<hbm>> -> memref<1x32xf32, #tpu.memory_space<hbm>>
        %dma_start3A_281 = arith.constant 0 : i32
        %dma_start3A_282 = arith.constant 0 : i32
        %dma_start3A_283 = tpu.memref_slice %arg6[%scan3A_142, %dma_start3A_281, %dma_start3A_282] : memref<16x20x32xf32, #tpu.memory_space<vmem>> -> memref<1x20x32xf32, #tpu.memory_space<vmem>>
        %dma_start3A_284 = tpu.memref_squeeze %dma_start3A_283 : memref<1x20x32xf32, #tpu.memory_space<vmem>> -> memref<20x32xf32, #tpu.memory_space<vmem>>
        %dma_start3A_285 = arith.constant 6 : i32
        %dma_start3A_286 = arith.constant 0 : i32
        %dma_start3A_287 = tpu.memref_slice %dma_start3A_284[%dma_start3A_285, %dma_start3A_286] : memref<20x32xf32, #tpu.memory_space<vmem>> -> memref<1x32xf32, #tpu.memory_space<vmem>>
        %dma_start3A_288 = arith.constant 0 : i32
        %dma_start3A_289 = tpu.memref_slice %arg3[%squeeze3A_271, %dma_start3A_288] : memref<1000000x32xf32, #tpu.memory_space<hbm>> -> memref<1x32xf32, #tpu.memory_space<hbm>>
        tpu.enqueue_dma source(%dma_start3A_289 : memref<1x32xf32, #tpu.memory_space<hbm>>) target(%dma_start3A_287 : memref<1x32xf32, #tpu.memory_space<vmem>>) target_semaphore(%arg8 : memref<!tpu.dma_semaphore, #tpu.memory_space<semaphore_mem>>)
        %slice3A_290 = vector.extract_strided_slice %get3A_146 {offsets = [7], sizes = [1], strides = [1]} : vector<16xi32> to vector<1xi32>
        %squeeze3A_291 = vector.extract %slice3A_290[0] : i32 from vector<1xi32>
        %dma_start3A_292 = arith.constant 0 : i32
        %dma_start3A_293 = arith.constant 0 : i32
        %dma_start3A_294 = tpu.memref_slice %arg6[%scan3A_142, %dma_start3A_292, %dma_start3A_293] : memref<16x20x32xf32, #tpu.memory_space<vmem>> -> memref<1x20x32xf32, #tpu.memory_space<vmem>>
        %dma_start3A_295 = tpu.memref_squeeze %dma_start3A_294 : memref<1x20x32xf32, #tpu.memory_space<vmem>> -> memref<20x32xf32, #tpu.memory_space<vmem>>
        %dma_start3A_296 = arith.constant 7 : i32
        %dma_start3A_297 = arith.constant 0 : i32
        %dma_start3A_298 = tpu.memref_slice %dma_start3A_295[%dma_start3A_296, %dma_start3A_297] : memref<20x32xf32, #tpu.memory_space<vmem>> -> memref<1x32xf32, #tpu.memory_space<vmem>>
        %dma_start3A_299 = arith.constant 0 : i32
        %dma_start3A_300 = tpu.memref_slice %arg3[%squeeze3A_291, %dma_start3A_299] : memref<1000000x32xf32, #tpu.memory_space<hbm>> -> memref<1x32xf32, #tpu.memory_space<hbm>>
        %dma_start3A_301 = arith.constant 0 : i32
        %dma_start3A_302 = arith.constant 0 : i32
        %dma_start3A_303 = tpu.memref_slice %arg6[%scan3A_142, %dma_start3A_301, %dma_start3A_302] : memref<16x20x32xf32, #tpu.memory_space<vmem>> -> memref<1x20x32xf32, #tpu.memory_space<vmem>>
        %dma_start3A_304 = tpu.memref_squeeze %dma_start3A_303 : memref<1x20x32xf32, #tpu.memory_space<vmem>> -> memref<20x32xf32, #tpu.memory_space<vmem>>
        %dma_start3A_305 = arith.constant 7 : i32
        %dma_start3A_306 = arith.constant 0 : i32
        %dma_start3A_307 = tpu.memref_slice %dma_start3A_304[%dma_start3A_305, %dma_start3A_306] : memref<20x32xf32, #tpu.memory_space<vmem>> -> memref<1x32xf32, #tpu.memory_space<vmem>>
        %dma_start3A_308 = arith.constant 0 : i32
        %dma_start3A_309 = tpu.memref_slice %arg3[%squeeze3A_291, %dma_start3A_308] : memref<1000000x32xf32, #tpu.memory_space<hbm>> -> memref<1x32xf32, #tpu.memory_space<hbm>>
        tpu.enqueue_dma source(%dma_start3A_309 : memref<1x32xf32, #tpu.memory_space<hbm>>) target(%dma_start3A_307 : memref<1x32xf32, #tpu.memory_space<vmem>>) target_semaphore(%arg8 : memref<!tpu.dma_semaphore, #tpu.memory_space<semaphore_mem>>)
        %slice3A_310 = vector.extract_strided_slice %get3A_146 {offsets = [8], sizes = [1], strides = [1]} : vector<16xi32> to vector<1xi32>
        %squeeze3A_311 = vector.extract %slice3A_310[0] : i32 from vector<1xi32>
        %dma_start3A_312 = arith.constant 0 : i32
        %dma_start3A_313 = arith.constant 0 : i32
        %dma_start3A_314 = tpu.memref_slice %arg6[%scan3A_142, %dma_start3A_312, %dma_start3A_313] : memref<16x20x32xf32, #tpu.memory_space<vmem>> -> memref<1x20x32xf32, #tpu.memory_space<vmem>>
        %dma_start3A_315 = tpu.memref_squeeze %dma_start3A_314 : memref<1x20x32xf32, #tpu.memory_space<vmem>> -> memref<20x32xf32, #tpu.memory_space<vmem>>
        %dma_start3A_316 = arith.constant 8 : i32
        %dma_start3A_317 = arith.constant 0 : i32
        %dma_start3A_318 = tpu.memref_slice %dma_start3A_315[%dma_start3A_316, %dma_start3A_317] : memref<20x32xf32, #tpu.memory_space<vmem>> -> memref<1x32xf32, #tpu.memory_space<vmem>>
        %dma_start3A_319 = arith.constant 0 : i32
        %dma_start3A_320 = tpu.memref_slice %arg3[%squeeze3A_311, %dma_start3A_319] : memref<1000000x32xf32, #tpu.memory_space<hbm>> -> memref<1x32xf32, #tpu.memory_space<hbm>>
        %dma_start3A_321 = arith.constant 0 : i32
        %dma_start3A_322 = arith.constant 0 : i32
        %dma_start3A_323 = tpu.memref_slice %arg6[%scan3A_142, %dma_start3A_321, %dma_start3A_322] : memref<16x20x32xf32, #tpu.memory_space<vmem>> -> memref<1x20x32xf32, #tpu.memory_space<vmem>>
        %dma_start3A_324 = tpu.memref_squeeze %dma_start3A_323 : memref<1x20x32xf32, #tpu.memory_space<vmem>> -> memref<20x32xf32, #tpu.memory_space<vmem>>
        %dma_start3A_325 = arith.constant 8 : i32
        %dma_start3A_326 = arith.constant 0 : i32
        %dma_start3A_327 = tpu.memref_slice %dma_start3A_324[%dma_start3A_325, %dma_start3A_326] : memref<20x32xf32, #tpu.memory_space<vmem>> -> memref<1x32xf32, #tpu.memory_space<vmem>>
        %dma_start3A_328 = arith.constant 0 : i32
        %dma_start3A_329 = tpu.memref_slice %arg3[%squeeze3A_311, %dma_start3A_328] : memref<1000000x32xf32, #tpu.memory_space<hbm>> -> memref<1x32xf32, #tpu.memory_space<hbm>>
        tpu.enqueue_dma source(%dma_start3A_329 : memref<1x32xf32, #tpu.memory_space<hbm>>) target(%dma_start3A_327 : memref<1x32xf32, #tpu.memory_space<vmem>>) target_semaphore(%arg8 : memref<!tpu.dma_semaphore, #tpu.memory_space<semaphore_mem>>)
        %slice3A_330 = vector.extract_strided_slice %get3A_146 {offsets = [9], sizes = [1], strides = [1]} : vector<16xi32> to vector<1xi32>
        %squeeze3A_331 = vector.extract %slice3A_330[0] : i32 from vector<1xi32>
        %dma_start3A_332 = arith.constant 0 : i32
        %dma_start3A_333 = arith.constant 0 : i32
        %dma_start3A_334 = tpu.memref_slice %arg6[%scan3A_142, %dma_start3A_332, %dma_start3A_333] : memref<16x20x32xf32, #tpu.memory_space<vmem>> -> memref<1x20x32xf32, #tpu.memory_space<vmem>>
        %dma_start3A_335 = tpu.memref_squeeze %dma_start3A_334 : memref<1x20x32xf32, #tpu.memory_space<vmem>> -> memref<20x32xf32, #tpu.memory_space<vmem>>
        %dma_start3A_336 = arith.constant 9 : i32
        %dma_start3A_337 = arith.constant 0 : i32
        %dma_start3A_338 = tpu.memref_slice %dma_start3A_335[%dma_start3A_336, %dma_start3A_337] : memref<20x32xf32, #tpu.memory_space<vmem>> -> memref<1x32xf32, #tpu.memory_space<vmem>>
        %dma_start3A_339 = arith.constant 0 : i32
        %dma_start3A_340 = tpu.memref_slice %arg3[%squeeze3A_331, %dma_start3A_339] : memref<1000000x32xf32, #tpu.memory_space<hbm>> -> memref<1x32xf32, #tpu.memory_space<hbm>>
        %dma_start3A_341 = arith.constant 0 : i32
        %dma_start3A_342 = arith.constant 0 : i32
        %dma_start3A_343 = tpu.memref_slice %arg6[%scan3A_142, %dma_start3A_341, %dma_start3A_342] : memref<16x20x32xf32, #tpu.memory_space<vmem>> -> memref<1x20x32xf32, #tpu.memory_space<vmem>>
        %dma_start3A_344 = tpu.memref_squeeze %dma_start3A_343 : memref<1x20x32xf32, #tpu.memory_space<vmem>> -> memref<20x32xf32, #tpu.memory_space<vmem>>
        %dma_start3A_345 = arith.constant 9 : i32
        %dma_start3A_346 = arith.constant 0 : i32
        %dma_start3A_347 = tpu.memref_slice %dma_start3A_344[%dma_start3A_345, %dma_start3A_346] : memref<20x32xf32, #tpu.memory_space<vmem>> -> memref<1x32xf32, #tpu.memory_space<vmem>>
        %dma_start3A_348 = arith.constant 0 : i32
        %dma_start3A_349 = tpu.memref_slice %arg3[%squeeze3A_331, %dma_start3A_348] : memref<1000000x32xf32, #tpu.memory_space<hbm>> -> memref<1x32xf32, #tpu.memory_space<hbm>>
        tpu.enqueue_dma source(%dma_start3A_349 : memref<1x32xf32, #tpu.memory_space<hbm>>) target(%dma_start3A_347 : memref<1x32xf32, #tpu.memory_space<vmem>>) target_semaphore(%arg8 : memref<!tpu.dma_semaphore, #tpu.memory_space<semaphore_mem>>)
        %slice3A_350 = vector.extract_strided_slice %get3A_146 {offsets = [10], sizes = [1], strides = [1]} : vector<16xi32> to vector<1xi32>
        %squeeze3A_351 = vector.extract %slice3A_350[0] : i32 from vector<1xi32>
        %dma_start3A_352 = arith.constant 0 : i32
        %dma_start3A_353 = arith.constant 0 : i32
        %dma_start3A_354 = tpu.memref_slice %arg6[%scan3A_142, %dma_start3A_352, %dma_start3A_353] : memref<16x20x32xf32, #tpu.memory_space<vmem>> -> memref<1x20x32xf32, #tpu.memory_space<vmem>>
        %dma_start3A_355 = tpu.memref_squeeze %dma_start3A_354 : memref<1x20x32xf32, #tpu.memory_space<vmem>> -> memref<20x32xf32, #tpu.memory_space<vmem>>
        %dma_start3A_356 = arith.constant 10 : i32
        %dma_start3A_357 = arith.constant 0 : i32
        %dma_start3A_358 = tpu.memref_slice %dma_start3A_355[%dma_start3A_356, %dma_start3A_357] : memref<20x32xf32, #tpu.memory_space<vmem>> -> memref<1x32xf32, #tpu.memory_space<vmem>>
        %dma_start3A_359 = arith.constant 0 : i32
        %dma_start3A_360 = tpu.memref_slice %arg3[%squeeze3A_351, %dma_start3A_359] : memref<1000000x32xf32, #tpu.memory_space<hbm>> -> memref<1x32xf32, #tpu.memory_space<hbm>>
        %dma_start3A_361 = arith.constant 0 : i32
        %dma_start3A_362 = arith.constant 0 : i32
        %dma_start3A_363 = tpu.memref_slice %arg6[%scan3A_142, %dma_start3A_361, %dma_start3A_362] : memref<16x20x32xf32, #tpu.memory_space<vmem>> -> memref<1x20x32xf32, #tpu.memory_space<vmem>>
        %dma_start3A_364 = tpu.memref_squeeze %dma_start3A_363 : memref<1x20x32xf32, #tpu.memory_space<vmem>> -> memref<20x32xf32, #tpu.memory_space<vmem>>
        %dma_start3A_365 = arith.constant 10 : i32
        %dma_start3A_366 = arith.constant 0 : i32
        %dma_start3A_367 = tpu.memref_slice %dma_start3A_364[%dma_start3A_365, %dma_start3A_366] : memref<20x32xf32, #tpu.memory_space<vmem>> -> memref<1x32xf32, #tpu.memory_space<vmem>>
        %dma_start3A_368 = arith.constant 0 : i32
        %dma_start3A_369 = tpu.memref_slice %arg3[%squeeze3A_351, %dma_start3A_368] : memref<1000000x32xf32, #tpu.memory_space<hbm>> -> memref<1x32xf32, #tpu.memory_space<hbm>>
        tpu.enqueue_dma source(%dma_start3A_369 : memref<1x32xf32, #tpu.memory_space<hbm>>) target(%dma_start3A_367 : memref<1x32xf32, #tpu.memory_space<vmem>>) target_semaphore(%arg8 : memref<!tpu.dma_semaphore, #tpu.memory_space<semaphore_mem>>)
        %slice3A_370 = vector.extract_strided_slice %get3A_146 {offsets = [11], sizes = [1], strides = [1]} : vector<16xi32> to vector<1xi32>
        %squeeze3A_371 = vector.extract %slice3A_370[0] : i32 from vector<1xi32>
        %dma_start3A_372 = arith.constant 0 : i32
        %dma_start3A_373 = arith.constant 0 : i32
        %dma_start3A_374 = tpu.memref_slice %arg6[%scan3A_142, %dma_start3A_372, %dma_start3A_373] : memref<16x20x32xf32, #tpu.memory_space<vmem>> -> memref<1x20x32xf32, #tpu.memory_space<vmem>>
        %dma_start3A_375 = tpu.memref_squeeze %dma_start3A_374 : memref<1x20x32xf32, #tpu.memory_space<vmem>> -> memref<20x32xf32, #tpu.memory_space<vmem>>
        %dma_start3A_376 = arith.constant 11 : i32
        %dma_start3A_377 = arith.constant 0 : i32
        %dma_start3A_378 = tpu.memref_slice %dma_start3A_375[%dma_start3A_376, %dma_start3A_377] : memref<20x32xf32, #tpu.memory_space<vmem>> -> memref<1x32xf32, #tpu.memory_space<vmem>>
        %dma_start3A_379 = arith.constant 0 : i32
        %dma_start3A_380 = tpu.memref_slice %arg3[%squeeze3A_371, %dma_start3A_379] : memref<1000000x32xf32, #tpu.memory_space<hbm>> -> memref<1x32xf32, #tpu.memory_space<hbm>>
        %dma_start3A_381 = arith.constant 0 : i32
        %dma_start3A_382 = arith.constant 0 : i32
        %dma_start3A_383 = tpu.memref_slice %arg6[%scan3A_142, %dma_start3A_381, %dma_start3A_382] : memref<16x20x32xf32, #tpu.memory_space<vmem>> -> memref<1x20x32xf32, #tpu.memory_space<vmem>>
        %dma_start3A_384 = tpu.memref_squeeze %dma_start3A_383 : memref<1x20x32xf32, #tpu.memory_space<vmem>> -> memref<20x32xf32, #tpu.memory_space<vmem>>
        %dma_start3A_385 = arith.constant 11 : i32
        %dma_start3A_386 = arith.constant 0 : i32
        %dma_start3A_387 = tpu.memref_slice %dma_start3A_384[%dma_start3A_385, %dma_start3A_386] : memref<20x32xf32, #tpu.memory_space<vmem>> -> memref<1x32xf32, #tpu.memory_space<vmem>>
        %dma_start3A_388 = arith.constant 0 : i32
        %dma_start3A_389 = tpu.memref_slice %arg3[%squeeze3A_371, %dma_start3A_388] : memref<1000000x32xf32, #tpu.memory_space<hbm>> -> memref<1x32xf32, #tpu.memory_space<hbm>>
        tpu.enqueue_dma source(%dma_start3A_389 : memref<1x32xf32, #tpu.memory_space<hbm>>) target(%dma_start3A_387 : memref<1x32xf32, #tpu.memory_space<vmem>>) target_semaphore(%arg8 : memref<!tpu.dma_semaphore, #tpu.memory_space<semaphore_mem>>)
        %slice3A_390 = vector.extract_strided_slice %get3A_146 {offsets = [12], sizes = [1], strides = [1]} : vector<16xi32> to vector<1xi32>
        %squeeze3A_391 = vector.extract %slice3A_390[0] : i32 from vector<1xi32>
        %dma_start3A_392 = arith.constant 0 : i32
        %dma_start3A_393 = arith.constant 0 : i32
        %dma_start3A_394 = tpu.memref_slice %arg6[%scan3A_142, %dma_start3A_392, %dma_start3A_393] : memref<16x20x32xf32, #tpu.memory_space<vmem>> -> memref<1x20x32xf32, #tpu.memory_space<vmem>>
        %dma_start3A_395 = tpu.memref_squeeze %dma_start3A_394 : memref<1x20x32xf32, #tpu.memory_space<vmem>> -> memref<20x32xf32, #tpu.memory_space<vmem>>
        %dma_start3A_396 = arith.constant 12 : i32
        %dma_start3A_397 = arith.constant 0 : i32
        %dma_start3A_398 = tpu.memref_slice %dma_start3A_395[%dma_start3A_396, %dma_start3A_397] : memref<20x32xf32, #tpu.memory_space<vmem>> -> memref<1x32xf32, #tpu.memory_space<vmem>>
        %dma_start3A_399 = arith.constant 0 : i32
        %dma_start3A_400 = tpu.memref_slice %arg3[%squeeze3A_391, %dma_start3A_399] : memref<1000000x32xf32, #tpu.memory_space<hbm>> -> memref<1x32xf32, #tpu.memory_space<hbm>>
        %dma_start3A_401 = arith.constant 0 : i32
        %dma_start3A_402 = arith.constant 0 : i32
        %dma_start3A_403 = tpu.memref_slice %arg6[%scan3A_142, %dma_start3A_401, %dma_start3A_402] : memref<16x20x32xf32, #tpu.memory_space<vmem>> -> memref<1x20x32xf32, #tpu.memory_space<vmem>>
        %dma_start3A_404 = tpu.memref_squeeze %dma_start3A_403 : memref<1x20x32xf32, #tpu.memory_space<vmem>> -> memref<20x32xf32, #tpu.memory_space<vmem>>
        %dma_start3A_405 = arith.constant 12 : i32
        %dma_start3A_406 = arith.constant 0 : i32
        %dma_start3A_407 = tpu.memref_slice %dma_start3A_404[%dma_start3A_405, %dma_start3A_406] : memref<20x32xf32, #tpu.memory_space<vmem>> -> memref<1x32xf32, #tpu.memory_space<vmem>>
        %dma_start3A_408 = arith.constant 0 : i32
        %dma_start3A_409 = tpu.memref_slice %arg3[%squeeze3A_391, %dma_start3A_408] : memref<1000000x32xf32, #tpu.memory_space<hbm>> -> memref<1x32xf32, #tpu.memory_space<hbm>>
        tpu.enqueue_dma source(%dma_start3A_409 : memref<1x32xf32, #tpu.memory_space<hbm>>) target(%dma_start3A_407 : memref<1x32xf32, #tpu.memory_space<vmem>>) target_semaphore(%arg8 : memref<!tpu.dma_semaphore, #tpu.memory_space<semaphore_mem>>)
        %slice3A_410 = vector.extract_strided_slice %get3A_146 {offsets = [13], sizes = [1], strides = [1]} : vector<16xi32> to vector<1xi32>
        %squeeze3A_411 = vector.extract %slice3A_410[0] : i32 from vector<1xi32>
        %dma_start3A_412 = arith.constant 0 : i32
        %dma_start3A_413 = arith.constant 0 : i32
        %dma_start3A_414 = tpu.memref_slice %arg6[%scan3A_142, %dma_start3A_412, %dma_start3A_413] : memref<16x20x32xf32, #tpu.memory_space<vmem>> -> memref<1x20x32xf32, #tpu.memory_space<vmem>>
        %dma_start3A_415 = tpu.memref_squeeze %dma_start3A_414 : memref<1x20x32xf32, #tpu.memory_space<vmem>> -> memref<20x32xf32, #tpu.memory_space<vmem>>
        %dma_start3A_416 = arith.constant 13 : i32
        %dma_start3A_417 = arith.constant 0 : i32
        %dma_start3A_418 = tpu.memref_slice %dma_start3A_415[%dma_start3A_416, %dma_start3A_417] : memref<20x32xf32, #tpu.memory_space<vmem>> -> memref<1x32xf32, #tpu.memory_space<vmem>>
        %dma_start3A_419 = arith.constant 0 : i32
        %dma_start3A_420 = tpu.memref_slice %arg3[%squeeze3A_411, %dma_start3A_419] : memref<1000000x32xf32, #tpu.memory_space<hbm>> -> memref<1x32xf32, #tpu.memory_space<hbm>>
        %dma_start3A_421 = arith.constant 0 : i32
        %dma_start3A_422 = arith.constant 0 : i32
        %dma_start3A_423 = tpu.memref_slice %arg6[%scan3A_142, %dma_start3A_421, %dma_start3A_422] : memref<16x20x32xf32, #tpu.memory_space<vmem>> -> memref<1x20x32xf32, #tpu.memory_space<vmem>>
        %dma_start3A_424 = tpu.memref_squeeze %dma_start3A_423 : memref<1x20x32xf32, #tpu.memory_space<vmem>> -> memref<20x32xf32, #tpu.memory_space<vmem>>
        %dma_start3A_425 = arith.constant 13 : i32
        %dma_start3A_426 = arith.constant 0 : i32
        %dma_start3A_427 = tpu.memref_slice %dma_start3A_424[%dma_start3A_425, %dma_start3A_426] : memref<20x32xf32, #tpu.memory_space<vmem>> -> memref<1x32xf32, #tpu.memory_space<vmem>>
        %dma_start3A_428 = arith.constant 0 : i32
        %dma_start3A_429 = tpu.memref_slice %arg3[%squeeze3A_411, %dma_start3A_428] : memref<1000000x32xf32, #tpu.memory_space<hbm>> -> memref<1x32xf32, #tpu.memory_space<hbm>>
        tpu.enqueue_dma source(%dma_start3A_429 : memref<1x32xf32, #tpu.memory_space<hbm>>) target(%dma_start3A_427 : memref<1x32xf32, #tpu.memory_space<vmem>>) target_semaphore(%arg8 : memref<!tpu.dma_semaphore, #tpu.memory_space<semaphore_mem>>)
        %slice3A_430 = vector.extract_strided_slice %get3A_146 {offsets = [14], sizes = [1], strides = [1]} : vector<16xi32> to vector<1xi32>
        %squeeze3A_431 = vector.extract %slice3A_430[0] : i32 from vector<1xi32>
        %dma_start3A_432 = arith.constant 0 : i32
        %dma_start3A_433 = arith.constant 0 : i32
        %dma_start3A_434 = tpu.memref_slice %arg6[%scan3A_142, %dma_start3A_432, %dma_start3A_433] : memref<16x20x32xf32, #tpu.memory_space<vmem>> -> memref<1x20x32xf32, #tpu.memory_space<vmem>>
        %dma_start3A_435 = tpu.memref_squeeze %dma_start3A_434 : memref<1x20x32xf32, #tpu.memory_space<vmem>> -> memref<20x32xf32, #tpu.memory_space<vmem>>
        %dma_start3A_436 = arith.constant 14 : i32
        %dma_start3A_437 = arith.constant 0 : i32
        %dma_start3A_438 = tpu.memref_slice %dma_start3A_435[%dma_start3A_436, %dma_start3A_437] : memref<20x32xf32, #tpu.memory_space<vmem>> -> memref<1x32xf32, #tpu.memory_space<vmem>>
        %dma_start3A_439 = arith.constant 0 : i32
        %dma_start3A_440 = tpu.memref_slice %arg3[%squeeze3A_431, %dma_start3A_439] : memref<1000000x32xf32, #tpu.memory_space<hbm>> -> memref<1x32xf32, #tpu.memory_space<hbm>>
        %dma_start3A_441 = arith.constant 0 : i32
        %dma_start3A_442 = arith.constant 0 : i32
        %dma_start3A_443 = tpu.memref_slice %arg6[%scan3A_142, %dma_start3A_441, %dma_start3A_442] : memref<16x20x32xf32, #tpu.memory_space<vmem>> -> memref<1x20x32xf32, #tpu.memory_space<vmem>>
        %dma_start3A_444 = tpu.memref_squeeze %dma_start3A_443 : memref<1x20x32xf32, #tpu.memory_space<vmem>> -> memref<20x32xf32, #tpu.memory_space<vmem>>
        %dma_start3A_445 = arith.constant 14 : i32
        %dma_start3A_446 = arith.constant 0 : i32
        %dma_start3A_447 = tpu.memref_slice %dma_start3A_444[%dma_start3A_445, %dma_start3A_446] : memref<20x32xf32, #tpu.memory_space<vmem>> -> memref<1x32xf32, #tpu.memory_space<vmem>>
        %dma_start3A_448 = arith.constant 0 : i32
        %dma_start3A_449 = tpu.memref_slice %arg3[%squeeze3A_431, %dma_start3A_448] : memref<1000000x32xf32, #tpu.memory_space<hbm>> -> memref<1x32xf32, #tpu.memory_space<hbm>>
        tpu.enqueue_dma source(%dma_start3A_449 : memref<1x32xf32, #tpu.memory_space<hbm>>) target(%dma_start3A_447 : memref<1x32xf32, #tpu.memory_space<vmem>>) target_semaphore(%arg8 : memref<!tpu.dma_semaphore, #tpu.memory_space<semaphore_mem>>)
        %slice3A_450 = vector.extract_strided_slice %get3A_146 {offsets = [15], sizes = [1], strides = [1]} : vector<16xi32> to vector<1xi32>
        %squeeze3A_451 = vector.extract %slice3A_450[0] : i32 from vector<1xi32>
        %dma_start3A_452 = arith.constant 0 : i32
        %dma_start3A_453 = arith.constant 0 : i32
        %dma_start3A_454 = tpu.memref_slice %arg6[%scan3A_142, %dma_start3A_452, %dma_start3A_453] : memref<16x20x32xf32, #tpu.memory_space<vmem>> -> memref<1x20x32xf32, #tpu.memory_space<vmem>>
        %dma_start3A_455 = tpu.memref_squeeze %dma_start3A_454 : memref<1x20x32xf32, #tpu.memory_space<vmem>> -> memref<20x32xf32, #tpu.memory_space<vmem>>
        %dma_start3A_456 = arith.constant 15 : i32
        %dma_start3A_457 = arith.constant 0 : i32
        %dma_start3A_458 = tpu.memref_slice %dma_start3A_455[%dma_start3A_456, %dma_start3A_457] : memref<20x32xf32, #tpu.memory_space<vmem>> -> memref<1x32xf32, #tpu.memory_space<vmem>>
        %dma_start3A_459 = arith.constant 0 : i32
        %dma_start3A_460 = tpu.memref_slice %arg3[%squeeze3A_451, %dma_start3A_459] : memref<1000000x32xf32, #tpu.memory_space<hbm>> -> memref<1x32xf32, #tpu.memory_space<hbm>>
        %dma_start3A_461 = arith.constant 0 : i32
        %dma_start3A_462 = arith.constant 0 : i32
        %dma_start3A_463 = tpu.memref_slice %arg6[%scan3A_142, %dma_start3A_461, %dma_start3A_462] : memref<16x20x32xf32, #tpu.memory_space<vmem>> -> memref<1x20x32xf32, #tpu.memory_space<vmem>>
        %dma_start3A_464 = tpu.memref_squeeze %dma_start3A_463 : memref<1x20x32xf32, #tpu.memory_space<vmem>> -> memref<20x32xf32, #tpu.memory_space<vmem>>
        %dma_start3A_465 = arith.constant 15 : i32
        %dma_start3A_466 = arith.constant 0 : i32
        %dma_start3A_467 = tpu.memref_slice %dma_start3A_464[%dma_start3A_465, %dma_start3A_466] : memref<20x32xf32, #tpu.memory_space<vmem>> -> memref<1x32xf32, #tpu.memory_space<vmem>>
        %dma_start3A_468 = arith.constant 0 : i32
        %dma_start3A_469 = tpu.memref_slice %arg3[%squeeze3A_451, %dma_start3A_468] : memref<1000000x32xf32, #tpu.memory_space<hbm>> -> memref<1x32xf32, #tpu.memory_space<hbm>>
        tpu.enqueue_dma source(%dma_start3A_469 : memref<1x32xf32, #tpu.memory_space<hbm>>) target(%dma_start3A_467 : memref<1x32xf32, #tpu.memory_space<vmem>>) target_semaphore(%arg8 : memref<!tpu.dma_semaphore, #tpu.memory_space<semaphore_mem>>)
        %slice3A_470 = vector.extract_strided_slice %get3A_151 {offsets = [12], sizes = [1], strides = [1]} : vector<16xi32> to vector<1xi32>
        %squeeze3A_471 = vector.extract %slice3A_470[0] : i32 from vector<1xi32>
        %dma_start3A_472 = arith.constant 0 : i32
        %dma_start3A_473 = arith.constant 0 : i32
        %dma_start3A_474 = tpu.memref_slice %arg6[%scan3A_142, %dma_start3A_472, %dma_start3A_473] : memref<16x20x32xf32, #tpu.memory_space<vmem>> -> memref<1x20x32xf32, #tpu.memory_space<vmem>>
        %dma_start3A_475 = tpu.memref_squeeze %dma_start3A_474 : memref<1x20x32xf32, #tpu.memory_space<vmem>> -> memref<20x32xf32, #tpu.memory_space<vmem>>
        %dma_start3A_476 = arith.constant 16 : i32
        %dma_start3A_477 = arith.constant 0 : i32
        %dma_start3A_478 = tpu.memref_slice %dma_start3A_475[%dma_start3A_476, %dma_start3A_477] : memref<20x32xf32, #tpu.memory_space<vmem>> -> memref<1x32xf32, #tpu.memory_space<vmem>>
        %dma_start3A_479 = arith.constant 0 : i32
        %dma_start3A_480 = tpu.memref_slice %arg3[%squeeze3A_471, %dma_start3A_479] : memref<1000000x32xf32, #tpu.memory_space<hbm>> -> memref<1x32xf32, #tpu.memory_space<hbm>>
        %dma_start3A_481 = arith.constant 0 : i32
        %dma_start3A_482 = arith.constant 0 : i32
        %dma_start3A_483 = tpu.memref_slice %arg6[%scan3A_142, %dma_start3A_481, %dma_start3A_482] : memref<16x20x32xf32, #tpu.memory_space<vmem>> -> memref<1x20x32xf32, #tpu.memory_space<vmem>>
        %dma_start3A_484 = tpu.memref_squeeze %dma_start3A_483 : memref<1x20x32xf32, #tpu.memory_space<vmem>> -> memref<20x32xf32, #tpu.memory_space<vmem>>
        %dma_start3A_485 = arith.constant 16 : i32
        %dma_start3A_486 = arith.constant 0 : i32
        %dma_start3A_487 = tpu.memref_slice %dma_start3A_484[%dma_start3A_485, %dma_start3A_486] : memref<20x32xf32, #tpu.memory_space<vmem>> -> memref<1x32xf32, #tpu.memory_space<vmem>>
        %dma_start3A_488 = arith.constant 0 : i32
        %dma_start3A_489 = tpu.memref_slice %arg3[%squeeze3A_471, %dma_start3A_488] : memref<1000000x32xf32, #tpu.memory_space<hbm>> -> memref<1x32xf32, #tpu.memory_space<hbm>>
        tpu.enqueue_dma source(%dma_start3A_489 : memref<1x32xf32, #tpu.memory_space<hbm>>) target(%dma_start3A_487 : memref<1x32xf32, #tpu.memory_space<vmem>>) target_semaphore(%arg8 : memref<!tpu.dma_semaphore, #tpu.memory_space<semaphore_mem>>)
        %slice3A_490 = vector.extract_strided_slice %get3A_151 {offsets = [13], sizes = [1], strides = [1]} : vector<16xi32> to vector<1xi32>
        %squeeze3A_491 = vector.extract %slice3A_490[0] : i32 from vector<1xi32>
        %dma_start3A_492 = arith.constant 0 : i32
        %dma_start3A_493 = arith.constant 0 : i32
        %dma_start3A_494 = tpu.memref_slice %arg6[%scan3A_142, %dma_start3A_492, %dma_start3A_493] : memref<16x20x32xf32, #tpu.memory_space<vmem>> -> memref<1x20x32xf32, #tpu.memory_space<vmem>>
        %dma_start3A_495 = tpu.memref_squeeze %dma_start3A_494 : memref<1x20x32xf32, #tpu.memory_space<vmem>> -> memref<20x32xf32, #tpu.memory_space<vmem>>
        %dma_start3A_496 = arith.constant 17 : i32
        %dma_start3A_497 = arith.constant 0 : i32
        %dma_start3A_498 = tpu.memref_slice %dma_start3A_495[%dma_start3A_496, %dma_start3A_497] : memref<20x32xf32, #tpu.memory_space<vmem>> -> memref<1x32xf32, #tpu.memory_space<vmem>>
        %dma_start3A_499 = arith.constant 0 : i32
        %dma_start3A_500 = tpu.memref_slice %arg3[%squeeze3A_491, %dma_start3A_499] : memref<1000000x32xf32, #tpu.memory_space<hbm>> -> memref<1x32xf32, #tpu.memory_space<hbm>>
        %dma_start3A_501 = arith.constant 0 : i32
        %dma_start3A_502 = arith.constant 0 : i32
        %dma_start3A_503 = tpu.memref_slice %arg6[%scan3A_142, %dma_start3A_501, %dma_start3A_502] : memref<16x20x32xf32, #tpu.memory_space<vmem>> -> memref<1x20x32xf32, #tpu.memory_space<vmem>>
        %dma_start3A_504 = tpu.memref_squeeze %dma_start3A_503 : memref<1x20x32xf32, #tpu.memory_space<vmem>> -> memref<20x32xf32, #tpu.memory_space<vmem>>
        %dma_start3A_505 = arith.constant 17 : i32
        %dma_start3A_506 = arith.constant 0 : i32
        %dma_start3A_507 = tpu.memref_slice %dma_start3A_504[%dma_start3A_505, %dma_start3A_506] : memref<20x32xf32, #tpu.memory_space<vmem>> -> memref<1x32xf32, #tpu.memory_space<vmem>>
        %dma_start3A_508 = arith.constant 0 : i32
        %dma_start3A_509 = tpu.memref_slice %arg3[%squeeze3A_491, %dma_start3A_508] : memref<1000000x32xf32, #tpu.memory_space<hbm>> -> memref<1x32xf32, #tpu.memory_space<hbm>>
        tpu.enqueue_dma source(%dma_start3A_509 : memref<1x32xf32, #tpu.memory_space<hbm>>) target(%dma_start3A_507 : memref<1x32xf32, #tpu.memory_space<vmem>>) target_semaphore(%arg8 : memref<!tpu.dma_semaphore, #tpu.memory_space<semaphore_mem>>)
        %slice3A_510 = vector.extract_strided_slice %get3A_151 {offsets = [14], sizes = [1], strides = [1]} : vector<16xi32> to vector<1xi32>
        %squeeze3A_511 = vector.extract %slice3A_510[0] : i32 from vector<1xi32>
        %dma_start3A_512 = arith.constant 0 : i32
        %dma_start3A_513 = arith.constant 0 : i32
        %dma_start3A_514 = tpu.memref_slice %arg6[%scan3A_142, %dma_start3A_512, %dma_start3A_513] : memref<16x20x32xf32, #tpu.memory_space<vmem>> -> memref<1x20x32xf32, #tpu.memory_space<vmem>>
        %dma_start3A_515 = tpu.memref_squeeze %dma_start3A_514 : memref<1x20x32xf32, #tpu.memory_space<vmem>> -> memref<20x32xf32, #tpu.memory_space<vmem>>
        %dma_start3A_516 = arith.constant 18 : i32
        %dma_start3A_517 = arith.constant 0 : i32
        %dma_start3A_518 = tpu.memref_slice %dma_start3A_515[%dma_start3A_516, %dma_start3A_517] : memref<20x32xf32, #tpu.memory_space<vmem>> -> memref<1x32xf32, #tpu.memory_space<vmem>>
        %dma_start3A_519 = arith.constant 0 : i32
        %dma_start3A_520 = tpu.memref_slice %arg3[%squeeze3A_511, %dma_start3A_519] : memref<1000000x32xf32, #tpu.memory_space<hbm>> -> memref<1x32xf32, #tpu.memory_space<hbm>>
        %dma_start3A_521 = arith.constant 0 : i32
        %dma_start3A_522 = arith.constant 0 : i32
        %dma_start3A_523 = tpu.memref_slice %arg6[%scan3A_142, %dma_start3A_521, %dma_start3A_522] : memref<16x20x32xf32, #tpu.memory_space<vmem>> -> memref<1x20x32xf32, #tpu.memory_space<vmem>>
        %dma_start3A_524 = tpu.memref_squeeze %dma_start3A_523 : memref<1x20x32xf32, #tpu.memory_space<vmem>> -> memref<20x32xf32, #tpu.memory_space<vmem>>
        %dma_start3A_525 = arith.constant 18 : i32
        %dma_start3A_526 = arith.constant 0 : i32
        %dma_start3A_527 = tpu.memref_slice %dma_start3A_524[%dma_start3A_525, %dma_start3A_526] : memref<20x32xf32, #tpu.memory_space<vmem>> -> memref<1x32xf32, #tpu.memory_space<vmem>>
        %dma_start3A_528 = arith.constant 0 : i32
        %dma_start3A_529 = tpu.memref_slice %arg3[%squeeze3A_511, %dma_start3A_528] : memref<1000000x32xf32, #tpu.memory_space<hbm>> -> memref<1x32xf32, #tpu.memory_space<hbm>>
        tpu.enqueue_dma source(%dma_start3A_529 : memref<1x32xf32, #tpu.memory_space<hbm>>) target(%dma_start3A_527 : memref<1x32xf32, #tpu.memory_space<vmem>>) target_semaphore(%arg8 : memref<!tpu.dma_semaphore, #tpu.memory_space<semaphore_mem>>)
        %slice3A_530 = vector.extract_strided_slice %get3A_151 {offsets = [15], sizes = [1], strides = [1]} : vector<16xi32> to vector<1xi32>
        %squeeze3A_531 = vector.extract %slice3A_530[0] : i32 from vector<1xi32>
        %dma_start3A_532 = arith.constant 0 : i32
        %dma_start3A_533 = arith.constant 0 : i32
        %dma_start3A_534 = tpu.memref_slice %arg6[%scan3A_142, %dma_start3A_532, %dma_start3A_533] : memref<16x20x32xf32, #tpu.memory_space<vmem>> -> memref<1x20x32xf32, #tpu.memory_space<vmem>>
        %dma_start3A_535 = tpu.memref_squeeze %dma_start3A_534 : memref<1x20x32xf32, #tpu.memory_space<vmem>> -> memref<20x32xf32, #tpu.memory_space<vmem>>
        %dma_start3A_536 = arith.constant 19 : i32
        %dma_start3A_537 = arith.constant 0 : i32
        %dma_start3A_538 = tpu.memref_slice %dma_start3A_535[%dma_start3A_536, %dma_start3A_537] : memref<20x32xf32, #tpu.memory_space<vmem>> -> memref<1x32xf32, #tpu.memory_space<vmem>>
        %dma_start3A_539 = arith.constant 0 : i32
        %dma_start3A_540 = tpu.memref_slice %arg3[%squeeze3A_531, %dma_start3A_539] : memref<1000000x32xf32, #tpu.memory_space<hbm>> -> memref<1x32xf32, #tpu.memory_space<hbm>>
        %dma_start3A_541 = arith.constant 0 : i32
        %dma_start3A_542 = arith.constant 0 : i32
        %dma_start3A_543 = tpu.memref_slice %arg6[%scan3A_142, %dma_start3A_541, %dma_start3A_542] : memref<16x20x32xf32, #tpu.memory_space<vmem>> -> memref<1x20x32xf32, #tpu.memory_space<vmem>>
        %dma_start3A_544 = tpu.memref_squeeze %dma_start3A_543 : memref<1x20x32xf32, #tpu.memory_space<vmem>> -> memref<20x32xf32, #tpu.memory_space<vmem>>
        %dma_start3A_545 = arith.constant 19 : i32
        %dma_start3A_546 = arith.constant 0 : i32
        %dma_start3A_547 = tpu.memref_slice %dma_start3A_544[%dma_start3A_545, %dma_start3A_546] : memref<20x32xf32, #tpu.memory_space<vmem>> -> memref<1x32xf32, #tpu.memory_space<vmem>>
        %dma_start3A_548 = arith.constant 0 : i32
        %dma_start3A_549 = tpu.memref_slice %arg3[%squeeze3A_531, %dma_start3A_548] : memref<1000000x32xf32, #tpu.memory_space<hbm>> -> memref<1x32xf32, #tpu.memory_space<hbm>>
        tpu.enqueue_dma source(%dma_start3A_549 : memref<1x32xf32, #tpu.memory_space<hbm>>) target(%dma_start3A_547 : memref<1x32xf32, #tpu.memory_space<vmem>>) target_semaphore(%arg8 : memref<!tpu.dma_semaphore, #tpu.memory_space<semaphore_mem>>)
      }
      %scan3A_73 = arith.constant 16 : i32
      %dma_wait3A_74 = arith.constant 0 : i32
      %dma_wait3A_75 = arith.constant 0 : i32
      %dma_wait3A_76 = arith.constant 0 : i32
      %dma_wait3A_77 = tpu.memref_slice %arg4[%dma_wait3A_74, %dma_wait3A_75, %dma_wait3A_76] : memref<16384x20x32xf32, #tpu.memory_space<hbm>> -> memref<16x20x32xf32, #tpu.memory_space<hbm>>
      %dma_wait3A_78 = arith.constant 0 : i32
      %dma_wait3A_79 = arith.constant 0 : i32
      %dma_wait3A_80 = arith.constant 0 : i32
      %dma_wait3A_81 = tpu.memref_slice %arg4[%dma_wait3A_78, %dma_wait3A_79, %dma_wait3A_80] : memref<16384x20x32xf32, #tpu.memory_space<hbm>> -> memref<16x20x32xf32, #tpu.memory_space<hbm>>
      tpu.wait_dma2 semaphore(%arg8 : memref<!tpu.dma_semaphore, #tpu.memory_space<semaphore_mem>>) src(%dma_wait3A_81 : memref<16x20x32xf32, #tpu.memory_space<hbm>>) dst(%arg6 : memref<16x20x32xf32, #tpu.memory_space<vmem>>)
      %add3A_82 = arith.addi %mul3A_2, %mul3A_41 : i32
      %dma_start3A = arith.constant 0 : i32
      %dma_start3A_83 = arith.constant 0 : i32
      %dma_start3A_84 = tpu.memref_slice %arg4[%add3A_82, %dma_start3A, %dma_start3A_83] : memref<16384x20x32xf32, #tpu.memory_space<hbm>> -> memref<16x20x32xf32, #tpu.memory_space<hbm>>
      %dma_start3A_85 = arith.constant 0 : i32
      %dma_start3A_86 = arith.constant 0 : i32
      %dma_start3A_87 = tpu.memref_slice %arg4[%add3A_82, %dma_start3A_85, %dma_start3A_86] : memref<16384x20x32xf32, #tpu.memory_space<hbm>> -> memref<16x20x32xf32, #tpu.memory_space<hbm>>
      tpu.enqueue_dma source(%arg6 : memref<16x20x32xf32, #tpu.memory_space<vmem>>) target(%dma_start3A_87 : memref<16x20x32xf32, #tpu.memory_space<hbm>>) target_semaphore(%arg10 : memref<!tpu.dma_semaphore, #tpu.memory_space<semaphore_mem>>)
      %mul3A_88 = arith.constant 2 : i32
      %mul3A_89 = arith.muli %scan3A_23, %mul3A_88 : i32
      %add3A_90 = arith.constant 1 : i32
      %add3A_91 = arith.addi %mul3A_89, %add3A_90 : i32
      %mul3A_92 = arith.constant 16 : i32
      %mul3A_93 = arith.muli %add3A_91, %mul3A_92 : i32
      %jit3A_94 = arith.constant 4 : i32
      %eq3A_95 = arith.constant 0 : i32
      %eq3A_96 = arith.cmpi eq, %jit3A_94, %eq3A_95 : i32
      %jit3A_97 = arith.constant 1 : i32
      %select_n3A_98 = arith.select %eq3A_96, %jit3A_97, %jit3A_94 : i32
      %rem3A_99 = arith.remsi %scan3A_23, %select_n3A_98 : i32
      %ne3A_100 = arith.constant 0 : i32
      %ne3A_101 = arith.cmpi ne, %rem3A_99, %ne3A_100 : i32
      %lt3A_102 = arith.constant 0 : i32
      %lt3A_103 = arith.cmpi slt, %rem3A_99, %lt3A_102 : i32
      %lt3A_104 = arith.constant 0 : i32
      %lt3A_105 = arith.cmpi slt, %select_n3A_98, %lt3A_104 : i32
      %ne3A_106 = arith.xori %lt3A_103, %lt3A_105 : i1
      %and3A_107 = arith.andi %ne3A_106, %ne3A_101 : i1
      %add3A_108 = arith.addi %rem3A_99, %select_n3A_98 : i32
      %select_n3A_109 = arith.select %and3A_107, %add3A_108, %rem3A_99 : i32
      %mul3A_110 = arith.constant 2 : i32
      %mul3A_111 = arith.muli %select_n3A_109, %mul3A_110 : i32
      %mul3A_112 = arith.constant 16 : i32
      %mul3A_113 = arith.muli %mul3A_111, %mul3A_112 : i32
      %add3A_114 = arith.constant 16 : i32
      %add3A_115 = arith.addi %mul3A_113, %add3A_114 : i32
      %gt3A_116 = arith.constant 0 : i32
      %gt3A_117 = arith.cmpi sgt, %scan3A_23, %gt3A_116 : i32
      %convert_element_type3A_118 = arith.extui %gt3A_117 : i1 to i32
      %cond3A_119 = arith.constant 0 : i32
      %cond3A_120 = arith.cmpi ne, %convert_element_type3A_118, %cond3A_119 : i32
      scf.if %cond3A_120 {
        %dma_wait3A_142 = arith.constant 0 : i32
        %dma_wait3A_143 = arith.constant 0 : i32
        %dma_wait3A_144 = arith.constant 0 : i32
        %dma_wait3A_145 = tpu.memref_slice %arg4[%dma_wait3A_142, %dma_wait3A_143, %dma_wait3A_144] : memref<16384x20x32xf32, #tpu.memory_space<hbm>> -> memref<16x20x32xf32, #tpu.memory_space<hbm>>
        %dma_wait3A_146 = arith.constant 0 : i32
        %dma_wait3A_147 = arith.constant 0 : i32
        %dma_wait3A_148 = arith.constant 0 : i32
        %dma_wait3A_149 = tpu.memref_slice %arg4[%dma_wait3A_146, %dma_wait3A_147, %dma_wait3A_148] : memref<16384x20x32xf32, #tpu.memory_space<hbm>> -> memref<16x20x32xf32, #tpu.memory_space<hbm>>
        tpu.wait_dma2 semaphore(%arg11 : memref<!tpu.dma_semaphore, #tpu.memory_space<semaphore_mem>>) src(%dma_wait3A_149 : memref<16x20x32xf32, #tpu.memory_space<hbm>>) dst(%arg7 : memref<16x20x32xf32, #tpu.memory_space<vmem>>)
      } else {
      }
      %scan3A_121 = arith.constant 0 : i32
      %scan3A_122 = arith.constant 0 : i32
      %scan3A_123 = arith.constant 16 : i32
      %scan3A_124 = arith.addi %scan3A_122, %scan3A_123 : i32
      %scan3A_125 = arith.constant 1 : i32
      scf.for %scan3A_142 = %scan3A_122 to %scan3A_124 step %scan3A_125  : i32 {
        %add3A_143 = arith.addi %add3A_115, %scan3A_142 : i32
        %get3A = arith.index_cast %add3A_143 : i32 to index
        %get3A_144 = arith.constant 0 : index
        %get3A_145 = tpu.vector_load %arg5[%get3A, %get3A_144] {strides = array<i32>} : memref<128x20xi32, #tpu.memory_space<vmem>>, vector<1x16xi32>,
        %get3A_146 = vector.shape_cast %get3A_145 : vector<1x16xi32> to vector<16xi32>
        %add3A_147 = arith.addi %add3A_115, %scan3A_142 : i32
        %get3A_148 = arith.index_cast %add3A_147 : i32 to index
        %get3A_149 = arith.constant 4 : index
        %get3A_150 = tpu.vector_load %arg5[%get3A_148, %get3A_149] {strides = array<i32>} : memref<128x20xi32, #tpu.memory_space<vmem>>, vector<1x16xi32>,
        %get3A_151 = vector.shape_cast %get3A_150 : vector<1x16xi32> to vector<16xi32>
        %slice3A = vector.extract_strided_slice %get3A_146 {offsets = [0], sizes = [1], strides = [1]} : vector<16xi32> to vector<1xi32>
        %squeeze3A = vector.extract %slice3A[0] : i32 from vector<1xi32>
        %dma_start3A_152 = arith.constant 0 : i32
        %dma_start3A_153 = arith.constant 0 : i32
        %dma_start3A_154 = tpu.memref_slice %arg7[%scan3A_142, %dma_start3A_152, %dma_start3A_153] : memref<16x20x32xf32, #tpu.memory_space<vmem>> -> memref<1x20x32xf32, #tpu.memory_space<vmem>>
        %dma_start3A_155 = tpu.memref_squeeze %dma_start3A_154 : memref<1x20x32xf32, #tpu.memory_space<vmem>> -> memref<20x32xf32, #tpu.memory_space<vmem>>
        %dma_start3A_156 = arith.constant 0 : i32
        %dma_start3A_157 = arith.constant 0 : i32
        %dma_start3A_158 = tpu.memref_slice %dma_start3A_155[%dma_start3A_156, %dma_start3A_157] : memref<20x32xf32, #tpu.memory_space<vmem>> -> memref<1x32xf32, #tpu.memory_space<vmem>>
        %dma_start3A_159 = arith.constant 0 : i32
        %dma_start3A_160 = tpu.memref_slice %arg3[%squeeze3A, %dma_start3A_159] : memref<1000000x32xf32, #tpu.memory_space<hbm>> -> memref<1x32xf32, #tpu.memory_space<hbm>>
        %dma_start3A_161 = arith.constant 0 : i32
        %dma_start3A_162 = arith.constant 0 : i32
        %dma_start3A_163 = tpu.memref_slice %arg7[%scan3A_142, %dma_start3A_161, %dma_start3A_162] : memref<16x20x32xf32, #tpu.memory_space<vmem>> -> memref<1x20x32xf32, #tpu.memory_space<vmem>>
        %dma_start3A_164 = tpu.memref_squeeze %dma_start3A_163 : memref<1x20x32xf32, #tpu.memory_space<vmem>> -> memref<20x32xf32, #tpu.memory_space<vmem>>
        %dma_start3A_165 = arith.constant 0 : i32
        %dma_start3A_166 = arith.constant 0 : i32
        %dma_start3A_167 = tpu.memref_slice %dma_start3A_164[%dma_start3A_165, %dma_start3A_166] : memref<20x32xf32, #tpu.memory_space<vmem>> -> memref<1x32xf32, #tpu.memory_space<vmem>>
        %dma_start3A_168 = arith.constant 0 : i32
        %dma_start3A_169 = tpu.memref_slice %arg3[%squeeze3A, %dma_start3A_168] : memref<1000000x32xf32, #tpu.memory_space<hbm>> -> memref<1x32xf32, #tpu.memory_space<hbm>>
        tpu.enqueue_dma source(%dma_start3A_169 : memref<1x32xf32, #tpu.memory_space<hbm>>) target(%dma_start3A_167 : memref<1x32xf32, #tpu.memory_space<vmem>>) target_semaphore(%arg9 : memref<!tpu.dma_semaphore, #tpu.memory_space<semaphore_mem>>)
        %slice3A_170 = vector.extract_strided_slice %get3A_146 {offsets = [1], sizes = [1], strides = [1]} : vector<16xi32> to vector<1xi32>
        %squeeze3A_171 = vector.extract %slice3A_170[0] : i32 from vector<1xi32>
        %dma_start3A_172 = arith.constant 0 : i32
        %dma_start3A_173 = arith.constant 0 : i32
        %dma_start3A_174 = tpu.memref_slice %arg7[%scan3A_142, %dma_start3A_172, %dma_start3A_173] : memref<16x20x32xf32, #tpu.memory_space<vmem>> -> memref<1x20x32xf32, #tpu.memory_space<vmem>>
        %dma_start3A_175 = tpu.memref_squeeze %dma_start3A_174 : memref<1x20x32xf32, #tpu.memory_space<vmem>> -> memref<20x32xf32, #tpu.memory_space<vmem>>
        %dma_start3A_176 = arith.constant 1 : i32
        %dma_start3A_177 = arith.constant 0 : i32
        %dma_start3A_178 = tpu.memref_slice %dma_start3A_175[%dma_start3A_176, %dma_start3A_177] : memref<20x32xf32, #tpu.memory_space<vmem>> -> memref<1x32xf32, #tpu.memory_space<vmem>>
        %dma_start3A_179 = arith.constant 0 : i32
        %dma_start3A_180 = tpu.memref_slice %arg3[%squeeze3A_171, %dma_start3A_179] : memref<1000000x32xf32, #tpu.memory_space<hbm>> -> memref<1x32xf32, #tpu.memory_space<hbm>>
        %dma_start3A_181 = arith.constant 0 : i32
        %dma_start3A_182 = arith.constant 0 : i32
        %dma_start3A_183 = tpu.memref_slice %arg7[%scan3A_142, %dma_start3A_181, %dma_start3A_182] : memref<16x20x32xf32, #tpu.memory_space<vmem>> -> memref<1x20x32xf32, #tpu.memory_space<vmem>>
        %dma_start3A_184 = tpu.memref_squeeze %dma_start3A_183 : memref<1x20x32xf32, #tpu.memory_space<vmem>> -> memref<20x32xf32, #tpu.memory_space<vmem>>
        %dma_start3A_185 = arith.constant 1 : i32
        %dma_start3A_186 = arith.constant 0 : i32
        %dma_start3A_187 = tpu.memref_slice %dma_start3A_184[%dma_start3A_185, %dma_start3A_186] : memref<20x32xf32, #tpu.memory_space<vmem>> -> memref<1x32xf32, #tpu.memory_space<vmem>>
        %dma_start3A_188 = arith.constant 0 : i32
        %dma_start3A_189 = tpu.memref_slice %arg3[%squeeze3A_171, %dma_start3A_188] : memref<1000000x32xf32, #tpu.memory_space<hbm>> -> memref<1x32xf32, #tpu.memory_space<hbm>>
        tpu.enqueue_dma source(%dma_start3A_189 : memref<1x32xf32, #tpu.memory_space<hbm>>) target(%dma_start3A_187 : memref<1x32xf32, #tpu.memory_space<vmem>>) target_semaphore(%arg9 : memref<!tpu.dma_semaphore, #tpu.memory_space<semaphore_mem>>)
        %slice3A_190 = vector.extract_strided_slice %get3A_146 {offsets = [2], sizes = [1], strides = [1]} : vector<16xi32> to vector<1xi32>
        %squeeze3A_191 = vector.extract %slice3A_190[0] : i32 from vector<1xi32>
        %dma_start3A_192 = arith.constant 0 : i32
        %dma_start3A_193 = arith.constant 0 : i32
        %dma_start3A_194 = tpu.memref_slice %arg7[%scan3A_142, %dma_start3A_192, %dma_start3A_193] : memref<16x20x32xf32, #tpu.memory_space<vmem>> -> memref<1x20x32xf32, #tpu.memory_space<vmem>>
        %dma_start3A_195 = tpu.memref_squeeze %dma_start3A_194 : memref<1x20x32xf32, #tpu.memory_space<vmem>> -> memref<20x32xf32, #tpu.memory_space<vmem>>
        %dma_start3A_196 = arith.constant 2 : i32
        %dma_start3A_197 = arith.constant 0 : i32
        %dma_start3A_198 = tpu.memref_slice %dma_start3A_195[%dma_start3A_196, %dma_start3A_197] : memref<20x32xf32, #tpu.memory_space<vmem>> -> memref<1x32xf32, #tpu.memory_space<vmem>>
        %dma_start3A_199 = arith.constant 0 : i32
        %dma_start3A_200 = tpu.memref_slice %arg3[%squeeze3A_191, %dma_start3A_199] : memref<1000000x32xf32, #tpu.memory_space<hbm>> -> memref<1x32xf32, #tpu.memory_space<hbm>>
        %dma_start3A_201 = arith.constant 0 : i32
        %dma_start3A_202 = arith.constant 0 : i32
        %dma_start3A_203 = tpu.memref_slice %arg7[%scan3A_142, %dma_start3A_201, %dma_start3A_202] : memref<16x20x32xf32, #tpu.memory_space<vmem>> -> memref<1x20x32xf32, #tpu.memory_space<vmem>>
        %dma_start3A_204 = tpu.memref_squeeze %dma_start3A_203 : memref<1x20x32xf32, #tpu.memory_space<vmem>> -> memref<20x32xf32, #tpu.memory_space<vmem>>
        %dma_start3A_205 = arith.constant 2 : i32
        %dma_start3A_206 = arith.constant 0 : i32
        %dma_start3A_207 = tpu.memref_slice %dma_start3A_204[%dma_start3A_205, %dma_start3A_206] : memref<20x32xf32, #tpu.memory_space<vmem>> -> memref<1x32xf32, #tpu.memory_space<vmem>>
        %dma_start3A_208 = arith.constant 0 : i32
        %dma_start3A_209 = tpu.memref_slice %arg3[%squeeze3A_191, %dma_start3A_208] : memref<1000000x32xf32, #tpu.memory_space<hbm>> -> memref<1x32xf32, #tpu.memory_space<hbm>>
        tpu.enqueue_dma source(%dma_start3A_209 : memref<1x32xf32, #tpu.memory_space<hbm>>) target(%dma_start3A_207 : memref<1x32xf32, #tpu.memory_space<vmem>>) target_semaphore(%arg9 : memref<!tpu.dma_semaphore, #tpu.memory_space<semaphore_mem>>)
        %slice3A_210 = vector.extract_strided_slice %get3A_146 {offsets = [3], sizes = [1], strides = [1]} : vector<16xi32> to vector<1xi32>
        %squeeze3A_211 = vector.extract %slice3A_210[0] : i32 from vector<1xi32>
        %dma_start3A_212 = arith.constant 0 : i32
        %dma_start3A_213 = arith.constant 0 : i32
        %dma_start3A_214 = tpu.memref_slice %arg7[%scan3A_142, %dma_start3A_212, %dma_start3A_213] : memref<16x20x32xf32, #tpu.memory_space<vmem>> -> memref<1x20x32xf32, #tpu.memory_space<vmem>>
        %dma_start3A_215 = tpu.memref_squeeze %dma_start3A_214 : memref<1x20x32xf32, #tpu.memory_space<vmem>> -> memref<20x32xf32, #tpu.memory_space<vmem>>
        %dma_start3A_216 = arith.constant 3 : i32
        %dma_start3A_217 = arith.constant 0 : i32
        %dma_start3A_218 = tpu.memref_slice %dma_start3A_215[%dma_start3A_216, %dma_start3A_217] : memref<20x32xf32, #tpu.memory_space<vmem>> -> memref<1x32xf32, #tpu.memory_space<vmem>>
        %dma_start3A_219 = arith.constant 0 : i32
        %dma_start3A_220 = tpu.memref_slice %arg3[%squeeze3A_211, %dma_start3A_219] : memref<1000000x32xf32, #tpu.memory_space<hbm>> -> memref<1x32xf32, #tpu.memory_space<hbm>>
        %dma_start3A_221 = arith.constant 0 : i32
        %dma_start3A_222 = arith.constant 0 : i32
        %dma_start3A_223 = tpu.memref_slice %arg7[%scan3A_142, %dma_start3A_221, %dma_start3A_222] : memref<16x20x32xf32, #tpu.memory_space<vmem>> -> memref<1x20x32xf32, #tpu.memory_space<vmem>>
        %dma_start3A_224 = tpu.memref_squeeze %dma_start3A_223 : memref<1x20x32xf32, #tpu.memory_space<vmem>> -> memref<20x32xf32, #tpu.memory_space<vmem>>
        %dma_start3A_225 = arith.constant 3 : i32
        %dma_start3A_226 = arith.constant 0 : i32
        %dma_start3A_227 = tpu.memref_slice %dma_start3A_224[%dma_start3A_225, %dma_start3A_226] : memref<20x32xf32, #tpu.memory_space<vmem>> -> memref<1x32xf32, #tpu.memory_space<vmem>>
        %dma_start3A_228 = arith.constant 0 : i32
        %dma_start3A_229 = tpu.memref_slice %arg3[%squeeze3A_211, %dma_start3A_228] : memref<1000000x32xf32, #tpu.memory_space<hbm>> -> memref<1x32xf32, #tpu.memory_space<hbm>>
        tpu.enqueue_dma source(%dma_start3A_229 : memref<1x32xf32, #tpu.memory_space<hbm>>) target(%dma_start3A_227 : memref<1x32xf32, #tpu.memory_space<vmem>>) target_semaphore(%arg9 : memref<!tpu.dma_semaphore, #tpu.memory_space<semaphore_mem>>)
        %slice3A_230 = vector.extract_strided_slice %get3A_146 {offsets = [4], sizes = [1], strides = [1]} : vector<16xi32> to vector<1xi32>
        %squeeze3A_231 = vector.extract %slice3A_230[0] : i32 from vector<1xi32>
        %dma_start3A_232 = arith.constant 0 : i32
        %dma_start3A_233 = arith.constant 0 : i32
        %dma_start3A_234 = tpu.memref_slice %arg7[%scan3A_142, %dma_start3A_232, %dma_start3A_233] : memref<16x20x32xf32, #tpu.memory_space<vmem>> -> memref<1x20x32xf32, #tpu.memory_space<vmem>>
        %dma_start3A_235 = tpu.memref_squeeze %dma_start3A_234 : memref<1x20x32xf32, #tpu.memory_space<vmem>> -> memref<20x32xf32, #tpu.memory_space<vmem>>
        %dma_start3A_236 = arith.constant 4 : i32
        %dma_start3A_237 = arith.constant 0 : i32
        %dma_start3A_238 = tpu.memref_slice %dma_start3A_235[%dma_start3A_236, %dma_start3A_237] : memref<20x32xf32, #tpu.memory_space<vmem>> -> memref<1x32xf32, #tpu.memory_space<vmem>>
        %dma_start3A_239 = arith.constant 0 : i32
        %dma_start3A_240 = tpu.memref_slice %arg3[%squeeze3A_231, %dma_start3A_239] : memref<1000000x32xf32, #tpu.memory_space<hbm>> -> memref<1x32xf32, #tpu.memory_space<hbm>>
        %dma_start3A_241 = arith.constant 0 : i32
        %dma_start3A_242 = arith.constant 0 : i32
        %dma_start3A_243 = tpu.memref_slice %arg7[%scan3A_142, %dma_start3A_241, %dma_start3A_242] : memref<16x20x32xf32, #tpu.memory_space<vmem>> -> memref<1x20x32xf32, #tpu.memory_space<vmem>>
        %dma_start3A_244 = tpu.memref_squeeze %dma_start3A_243 : memref<1x20x32xf32, #tpu.memory_space<vmem>> -> memref<20x32xf32, #tpu.memory_space<vmem>>
        %dma_start3A_245 = arith.constant 4 : i32
        %dma_start3A_246 = arith.constant 0 : i32
        %dma_start3A_247 = tpu.memref_slice %dma_start3A_244[%dma_start3A_245, %dma_start3A_246] : memref<20x32xf32, #tpu.memory_space<vmem>> -> memref<1x32xf32, #tpu.memory_space<vmem>>
        %dma_start3A_248 = arith.constant 0 : i32
        %dma_start3A_249 = tpu.memref_slice %arg3[%squeeze3A_231, %dma_start3A_248] : memref<1000000x32xf32, #tpu.memory_space<hbm>> -> memref<1x32xf32, #tpu.memory_space<hbm>>
        tpu.enqueue_dma source(%dma_start3A_249 : memref<1x32xf32, #tpu.memory_space<hbm>>) target(%dma_start3A_247 : memref<1x32xf32, #tpu.memory_space<vmem>>) target_semaphore(%arg9 : memref<!tpu.dma_semaphore, #tpu.memory_space<semaphore_mem>>)
        %slice3A_250 = vector.extract_strided_slice %get3A_146 {offsets = [5], sizes = [1], strides = [1]} : vector<16xi32> to vector<1xi32>
        %squeeze3A_251 = vector.extract %slice3A_250[0] : i32 from vector<1xi32>
        %dma_start3A_252 = arith.constant 0 : i32
        %dma_start3A_253 = arith.constant 0 : i32
        %dma_start3A_254 = tpu.memref_slice %arg7[%scan3A_142, %dma_start3A_252, %dma_start3A_253] : memref<16x20x32xf32, #tpu.memory_space<vmem>> -> memref<1x20x32xf32, #tpu.memory_space<vmem>>
        %dma_start3A_255 = tpu.memref_squeeze %dma_start3A_254 : memref<1x20x32xf32, #tpu.memory_space<vmem>> -> memref<20x32xf32, #tpu.memory_space<vmem>>
        %dma_start3A_256 = arith.constant 5 : i32
        %dma_start3A_257 = arith.constant 0 : i32
        %dma_start3A_258 = tpu.memref_slice %dma_start3A_255[%dma_start3A_256, %dma_start3A_257] : memref<20x32xf32, #tpu.memory_space<vmem>> -> memref<1x32xf32, #tpu.memory_space<vmem>>
        %dma_start3A_259 = arith.constant 0 : i32
        %dma_start3A_260 = tpu.memref_slice %arg3[%squeeze3A_251, %dma_start3A_259] : memref<1000000x32xf32, #tpu.memory_space<hbm>> -> memref<1x32xf32, #tpu.memory_space<hbm>>
        %dma_start3A_261 = arith.constant 0 : i32
        %dma_start3A_262 = arith.constant 0 : i32
        %dma_start3A_263 = tpu.memref_slice %arg7[%scan3A_142, %dma_start3A_261, %dma_start3A_262] : memref<16x20x32xf32, #tpu.memory_space<vmem>> -> memref<1x20x32xf32, #tpu.memory_space<vmem>>
        %dma_start3A_264 = tpu.memref_squeeze %dma_start3A_263 : memref<1x20x32xf32, #tpu.memory_space<vmem>> -> memref<20x32xf32, #tpu.memory_space<vmem>>
        %dma_start3A_265 = arith.constant 5 : i32
        %dma_start3A_266 = arith.constant 0 : i32
        %dma_start3A_267 = tpu.memref_slice %dma_start3A_264[%dma_start3A_265, %dma_start3A_266] : memref<20x32xf32, #tpu.memory_space<vmem>> -> memref<1x32xf32, #tpu.memory_space<vmem>>
        %dma_start3A_268 = arith.constant 0 : i32
        %dma_start3A_269 = tpu.memref_slice %arg3[%squeeze3A_251, %dma_start3A_268] : memref<1000000x32xf32, #tpu.memory_space<hbm>> -> memref<1x32xf32, #tpu.memory_space<hbm>>
        tpu.enqueue_dma source(%dma_start3A_269 : memref<1x32xf32, #tpu.memory_space<hbm>>) target(%dma_start3A_267 : memref<1x32xf32, #tpu.memory_space<vmem>>) target_semaphore(%arg9 : memref<!tpu.dma_semaphore, #tpu.memory_space<semaphore_mem>>)
        %slice3A_270 = vector.extract_strided_slice %get3A_146 {offsets = [6], sizes = [1], strides = [1]} : vector<16xi32> to vector<1xi32>
        %squeeze3A_271 = vector.extract %slice3A_270[0] : i32 from vector<1xi32>
        %dma_start3A_272 = arith.constant 0 : i32
        %dma_start3A_273 = arith.constant 0 : i32
        %dma_start3A_274 = tpu.memref_slice %arg7[%scan3A_142, %dma_start3A_272, %dma_start3A_273] : memref<16x20x32xf32, #tpu.memory_space<vmem>> -> memref<1x20x32xf32, #tpu.memory_space<vmem>>
        %dma_start3A_275 = tpu.memref_squeeze %dma_start3A_274 : memref<1x20x32xf32, #tpu.memory_space<vmem>> -> memref<20x32xf32, #tpu.memory_space<vmem>>
        %dma_start3A_276 = arith.constant 6 : i32
        %dma_start3A_277 = arith.constant 0 : i32
        %dma_start3A_278 = tpu.memref_slice %dma_start3A_275[%dma_start3A_276, %dma_start3A_277] : memref<20x32xf32, #tpu.memory_space<vmem>> -> memref<1x32xf32, #tpu.memory_space<vmem>>
        %dma_start3A_279 = arith.constant 0 : i32
        %dma_start3A_280 = tpu.memref_slice %arg3[%squeeze3A_271, %dma_start3A_279] : memref<1000000x32xf32, #tpu.memory_space<hbm>> -> memref<1x32xf32, #tpu.memory_space<hbm>>
        %dma_start3A_281 = arith.constant 0 : i32
        %dma_start3A_282 = arith.constant 0 : i32
        %dma_start3A_283 = tpu.memref_slice %arg7[%scan3A_142, %dma_start3A_281, %dma_start3A_282] : memref<16x20x32xf32, #tpu.memory_space<vmem>> -> memref<1x20x32xf32, #tpu.memory_space<vmem>>
        %dma_start3A_284 = tpu.memref_squeeze %dma_start3A_283 : memref<1x20x32xf32, #tpu.memory_space<vmem>> -> memref<20x32xf32, #tpu.memory_space<vmem>>
        %dma_start3A_285 = arith.constant 6 : i32
        %dma_start3A_286 = arith.constant 0 : i32
        %dma_start3A_287 = tpu.memref_slice %dma_start3A_284[%dma_start3A_285, %dma_start3A_286] : memref<20x32xf32, #tpu.memory_space<vmem>> -> memref<1x32xf32, #tpu.memory_space<vmem>>
        %dma_start3A_288 = arith.constant 0 : i32
        %dma_start3A_289 = tpu.memref_slice %arg3[%squeeze3A_271, %dma_start3A_288] : memref<1000000x32xf32, #tpu.memory_space<hbm>> -> memref<1x32xf32, #tpu.memory_space<hbm>>
        tpu.enqueue_dma source(%dma_start3A_289 : memref<1x32xf32, #tpu.memory_space<hbm>>) target(%dma_start3A_287 : memref<1x32xf32, #tpu.memory_space<vmem>>) target_semaphore(%arg9 : memref<!tpu.dma_semaphore, #tpu.memory_space<semaphore_mem>>)
        %slice3A_290 = vector.extract_strided_slice %get3A_146 {offsets = [7], sizes = [1], strides = [1]} : vector<16xi32> to vector<1xi32>
        %squeeze3A_291 = vector.extract %slice3A_290[0] : i32 from vector<1xi32>
        %dma_start3A_292 = arith.constant 0 : i32
        %dma_start3A_293 = arith.constant 0 : i32
        %dma_start3A_294 = tpu.memref_slice %arg7[%scan3A_142, %dma_start3A_292, %dma_start3A_293] : memref<16x20x32xf32, #tpu.memory_space<vmem>> -> memref<1x20x32xf32, #tpu.memory_space<vmem>>
        %dma_start3A_295 = tpu.memref_squeeze %dma_start3A_294 : memref<1x20x32xf32, #tpu.memory_space<vmem>> -> memref<20x32xf32, #tpu.memory_space<vmem>>
        %dma_start3A_296 = arith.constant 7 : i32
        %dma_start3A_297 = arith.constant 0 : i32
        %dma_start3A_298 = tpu.memref_slice %dma_start3A_295[%dma_start3A_296, %dma_start3A_297] : memref<20x32xf32, #tpu.memory_space<vmem>> -> memref<1x32xf32, #tpu.memory_space<vmem>>
        %dma_start3A_299 = arith.constant 0 : i32
        %dma_start3A_300 = tpu.memref_slice %arg3[%squeeze3A_291, %dma_start3A_299] : memref<1000000x32xf32, #tpu.memory_space<hbm>> -> memref<1x32xf32, #tpu.memory_space<hbm>>
        %dma_start3A_301 = arith.constant 0 : i32
        %dma_start3A_302 = arith.constant 0 : i32
        %dma_start3A_303 = tpu.memref_slice %arg7[%scan3A_142, %dma_start3A_301, %dma_start3A_302] : memref<16x20x32xf32, #tpu.memory_space<vmem>> -> memref<1x20x32xf32, #tpu.memory_space<vmem>>
        %dma_start3A_304 = tpu.memref_squeeze %dma_start3A_303 : memref<1x20x32xf32, #tpu.memory_space<vmem>> -> memref<20x32xf32, #tpu.memory_space<vmem>>
        %dma_start3A_305 = arith.constant 7 : i32
        %dma_start3A_306 = arith.constant 0 : i32
        %dma_start3A_307 = tpu.memref_slice %dma_start3A_304[%dma_start3A_305, %dma_start3A_306] : memref<20x32xf32, #tpu.memory_space<vmem>> -> memref<1x32xf32, #tpu.memory_space<vmem>>
        %dma_start3A_308 = arith.constant 0 : i32
        %dma_start3A_309 = tpu.memref_slice %arg3[%squeeze3A_291, %dma_start3A_308] : memref<1000000x32xf32, #tpu.memory_space<hbm>> -> memref<1x32xf32, #tpu.memory_space<hbm>>
        tpu.enqueue_dma source(%dma_start3A_309 : memref<1x32xf32, #tpu.memory_space<hbm>>) target(%dma_start3A_307 : memref<1x32xf32, #tpu.memory_space<vmem>>) target_semaphore(%arg9 : memref<!tpu.dma_semaphore, #tpu.memory_space<semaphore_mem>>)
        %slice3A_310 = vector.extract_strided_slice %get3A_146 {offsets = [8], sizes = [1], strides = [1]} : vector<16xi32> to vector<1xi32>
        %squeeze3A_311 = vector.extract %slice3A_310[0] : i32 from vector<1xi32>
        %dma_start3A_312 = arith.constant 0 : i32
        %dma_start3A_313 = arith.constant 0 : i32
        %dma_start3A_314 = tpu.memref_slice %arg7[%scan3A_142, %dma_start3A_312, %dma_start3A_313] : memref<16x20x32xf32, #tpu.memory_space<vmem>> -> memref<1x20x32xf32, #tpu.memory_space<vmem>>
        %dma_start3A_315 = tpu.memref_squeeze %dma_start3A_314 : memref<1x20x32xf32, #tpu.memory_space<vmem>> -> memref<20x32xf32, #tpu.memory_space<vmem>>
        %dma_start3A_316 = arith.constant 8 : i32
        %dma_start3A_317 = arith.constant 0 : i32
        %dma_start3A_318 = tpu.memref_slice %dma_start3A_315[%dma_start3A_316, %dma_start3A_317] : memref<20x32xf32, #tpu.memory_space<vmem>> -> memref<1x32xf32, #tpu.memory_space<vmem>>
        %dma_start3A_319 = arith.constant 0 : i32
        %dma_start3A_320 = tpu.memref_slice %arg3[%squeeze3A_311, %dma_start3A_319] : memref<1000000x32xf32, #tpu.memory_space<hbm>> -> memref<1x32xf32, #tpu.memory_space<hbm>>
        %dma_start3A_321 = arith.constant 0 : i32
        %dma_start3A_322 = arith.constant 0 : i32
        %dma_start3A_323 = tpu.memref_slice %arg7[%scan3A_142, %dma_start3A_321, %dma_start3A_322] : memref<16x20x32xf32, #tpu.memory_space<vmem>> -> memref<1x20x32xf32, #tpu.memory_space<vmem>>
        %dma_start3A_324 = tpu.memref_squeeze %dma_start3A_323 : memref<1x20x32xf32, #tpu.memory_space<vmem>> -> memref<20x32xf32, #tpu.memory_space<vmem>>
        %dma_start3A_325 = arith.constant 8 : i32
        %dma_start3A_326 = arith.constant 0 : i32
        %dma_start3A_327 = tpu.memref_slice %dma_start3A_324[%dma_start3A_325, %dma_start3A_326] : memref<20x32xf32, #tpu.memory_space<vmem>> -> memref<1x32xf32, #tpu.memory_space<vmem>>
        %dma_start3A_328 = arith.constant 0 : i32
        %dma_start3A_329 = tpu.memref_slice %arg3[%squeeze3A_311, %dma_start3A_328] : memref<1000000x32xf32, #tpu.memory_space<hbm>> -> memref<1x32xf32, #tpu.memory_space<hbm>>
        tpu.enqueue_dma source(%dma_start3A_329 : memref<1x32xf32, #tpu.memory_space<hbm>>) target(%dma_start3A_327 : memref<1x32xf32, #tpu.memory_space<vmem>>) target_semaphore(%arg9 : memref<!tpu.dma_semaphore, #tpu.memory_space<semaphore_mem>>)
        %slice3A_330 = vector.extract_strided_slice %get3A_146 {offsets = [9], sizes = [1], strides = [1]} : vector<16xi32> to vector<1xi32>
        %squeeze3A_331 = vector.extract %slice3A_330[0] : i32 from vector<1xi32>
        %dma_start3A_332 = arith.constant 0 : i32
        %dma_start3A_333 = arith.constant 0 : i32
        %dma_start3A_334 = tpu.memref_slice %arg7[%scan3A_142, %dma_start3A_332, %dma_start3A_333] : memref<16x20x32xf32, #tpu.memory_space<vmem>> -> memref<1x20x32xf32, #tpu.memory_space<vmem>>
        %dma_start3A_335 = tpu.memref_squeeze %dma_start3A_334 : memref<1x20x32xf32, #tpu.memory_space<vmem>> -> memref<20x32xf32, #tpu.memory_space<vmem>>
        %dma_start3A_336 = arith.constant 9 : i32
        %dma_start3A_337 = arith.constant 0 : i32
        %dma_start3A_338 = tpu.memref_slice %dma_start3A_335[%dma_start3A_336, %dma_start3A_337] : memref<20x32xf32, #tpu.memory_space<vmem>> -> memref<1x32xf32, #tpu.memory_space<vmem>>
        %dma_start3A_339 = arith.constant 0 : i32
        %dma_start3A_340 = tpu.memref_slice %arg3[%squeeze3A_331, %dma_start3A_339] : memref<1000000x32xf32, #tpu.memory_space<hbm>> -> memref<1x32xf32, #tpu.memory_space<hbm>>
        %dma_start3A_341 = arith.constant 0 : i32
        %dma_start3A_342 = arith.constant 0 : i32
        %dma_start3A_343 = tpu.memref_slice %arg7[%scan3A_142, %dma_start3A_341, %dma_start3A_342] : memref<16x20x32xf32, #tpu.memory_space<vmem>> -> memref<1x20x32xf32, #tpu.memory_space<vmem>>
        %dma_start3A_344 = tpu.memref_squeeze %dma_start3A_343 : memref<1x20x32xf32, #tpu.memory_space<vmem>> -> memref<20x32xf32, #tpu.memory_space<vmem>>
        %dma_start3A_345 = arith.constant 9 : i32
        %dma_start3A_346 = arith.constant 0 : i32
        %dma_start3A_347 = tpu.memref_slice %dma_start3A_344[%dma_start3A_345, %dma_start3A_346] : memref<20x32xf32, #tpu.memory_space<vmem>> -> memref<1x32xf32, #tpu.memory_space<vmem>>
        %dma_start3A_348 = arith.constant 0 : i32
        %dma_start3A_349 = tpu.memref_slice %arg3[%squeeze3A_331, %dma_start3A_348] : memref<1000000x32xf32, #tpu.memory_space<hbm>> -> memref<1x32xf32, #tpu.memory_space<hbm>>
        tpu.enqueue_dma source(%dma_start3A_349 : memref<1x32xf32, #tpu.memory_space<hbm>>) target(%dma_start3A_347 : memref<1x32xf32, #tpu.memory_space<vmem>>) target_semaphore(%arg9 : memref<!tpu.dma_semaphore, #tpu.memory_space<semaphore_mem>>)
        %slice3A_350 = vector.extract_strided_slice %get3A_146 {offsets = [10], sizes = [1], strides = [1]} : vector<16xi32> to vector<1xi32>
        %squeeze3A_351 = vector.extract %slice3A_350[0] : i32 from vector<1xi32>
        %dma_start3A_352 = arith.constant 0 : i32
        %dma_start3A_353 = arith.constant 0 : i32
        %dma_start3A_354 = tpu.memref_slice %arg7[%scan3A_142, %dma_start3A_352, %dma_start3A_353] : memref<16x20x32xf32, #tpu.memory_space<vmem>> -> memref<1x20x32xf32, #tpu.memory_space<vmem>>
        %dma_start3A_355 = tpu.memref_squeeze %dma_start3A_354 : memref<1x20x32xf32, #tpu.memory_space<vmem>> -> memref<20x32xf32, #tpu.memory_space<vmem>>
        %dma_start3A_356 = arith.constant 10 : i32
        %dma_start3A_357 = arith.constant 0 : i32
        %dma_start3A_358 = tpu.memref_slice %dma_start3A_355[%dma_start3A_356, %dma_start3A_357] : memref<20x32xf32, #tpu.memory_space<vmem>> -> memref<1x32xf32, #tpu.memory_space<vmem>>
        %dma_start3A_359 = arith.constant 0 : i32
        %dma_start3A_360 = tpu.memref_slice %arg3[%squeeze3A_351, %dma_start3A_359] : memref<1000000x32xf32, #tpu.memory_space<hbm>> -> memref<1x32xf32, #tpu.memory_space<hbm>>
        %dma_start3A_361 = arith.constant 0 : i32
        %dma_start3A_362 = arith.constant 0 : i32
        %dma_start3A_363 = tpu.memref_slice %arg7[%scan3A_142, %dma_start3A_361, %dma_start3A_362] : memref<16x20x32xf32, #tpu.memory_space<vmem>> -> memref<1x20x32xf32, #tpu.memory_space<vmem>>
        %dma_start3A_364 = tpu.memref_squeeze %dma_start3A_363 : memref<1x20x32xf32, #tpu.memory_space<vmem>> -> memref<20x32xf32, #tpu.memory_space<vmem>>
        %dma_start3A_365 = arith.constant 10 : i32
        %dma_start3A_366 = arith.constant 0 : i32
        %dma_start3A_367 = tpu.memref_slice %dma_start3A_364[%dma_start3A_365, %dma_start3A_366] : memref<20x32xf32, #tpu.memory_space<vmem>> -> memref<1x32xf32, #tpu.memory_space<vmem>>
        %dma_start3A_368 = arith.constant 0 : i32
        %dma_start3A_369 = tpu.memref_slice %arg3[%squeeze3A_351, %dma_start3A_368] : memref<1000000x32xf32, #tpu.memory_space<hbm>> -> memref<1x32xf32, #tpu.memory_space<hbm>>
        tpu.enqueue_dma source(%dma_start3A_369 : memref<1x32xf32, #tpu.memory_space<hbm>>) target(%dma_start3A_367 : memref<1x32xf32, #tpu.memory_space<vmem>>) target_semaphore(%arg9 : memref<!tpu.dma_semaphore, #tpu.memory_space<semaphore_mem>>)
        %slice3A_370 = vector.extract_strided_slice %get3A_146 {offsets = [11], sizes = [1], strides = [1]} : vector<16xi32> to vector<1xi32>
        %squeeze3A_371 = vector.extract %slice3A_370[0] : i32 from vector<1xi32>
        %dma_start3A_372 = arith.constant 0 : i32
        %dma_start3A_373 = arith.constant 0 : i32
        %dma_start3A_374 = tpu.memref_slice %arg7[%scan3A_142, %dma_start3A_372, %dma_start3A_373] : memref<16x20x32xf32, #tpu.memory_space<vmem>> -> memref<1x20x32xf32, #tpu.memory_space<vmem>>
        %dma_start3A_375 = tpu.memref_squeeze %dma_start3A_374 : memref<1x20x32xf32, #tpu.memory_space<vmem>> -> memref<20x32xf32, #tpu.memory_space<vmem>>
        %dma_start3A_376 = arith.constant 11 : i32
        %dma_start3A_377 = arith.constant 0 : i32
        %dma_start3A_378 = tpu.memref_slice %dma_start3A_375[%dma_start3A_376, %dma_start3A_377] : memref<20x32xf32, #tpu.memory_space<vmem>> -> memref<1x32xf32, #tpu.memory_space<vmem>>
        %dma_start3A_379 = arith.constant 0 : i32
        %dma_start3A_380 = tpu.memref_slice %arg3[%squeeze3A_371, %dma_start3A_379] : memref<1000000x32xf32, #tpu.memory_space<hbm>> -> memref<1x32xf32, #tpu.memory_space<hbm>>
        %dma_start3A_381 = arith.constant 0 : i32
        %dma_start3A_382 = arith.constant 0 : i32
        %dma_start3A_383 = tpu.memref_slice %arg7[%scan3A_142, %dma_start3A_381, %dma_start3A_382] : memref<16x20x32xf32, #tpu.memory_space<vmem>> -> memref<1x20x32xf32, #tpu.memory_space<vmem>>
        %dma_start3A_384 = tpu.memref_squeeze %dma_start3A_383 : memref<1x20x32xf32, #tpu.memory_space<vmem>> -> memref<20x32xf32, #tpu.memory_space<vmem>>
        %dma_start3A_385 = arith.constant 11 : i32
        %dma_start3A_386 = arith.constant 0 : i32
        %dma_start3A_387 = tpu.memref_slice %dma_start3A_384[%dma_start3A_385, %dma_start3A_386] : memref<20x32xf32, #tpu.memory_space<vmem>> -> memref<1x32xf32, #tpu.memory_space<vmem>>
        %dma_start3A_388 = arith.constant 0 : i32
        %dma_start3A_389 = tpu.memref_slice %arg3[%squeeze3A_371, %dma_start3A_388] : memref<1000000x32xf32, #tpu.memory_space<hbm>> -> memref<1x32xf32, #tpu.memory_space<hbm>>
        tpu.enqueue_dma source(%dma_start3A_389 : memref<1x32xf32, #tpu.memory_space<hbm>>) target(%dma_start3A_387 : memref<1x32xf32, #tpu.memory_space<vmem>>) target_semaphore(%arg9 : memref<!tpu.dma_semaphore, #tpu.memory_space<semaphore_mem>>)
        %slice3A_390 = vector.extract_strided_slice %get3A_146 {offsets = [12], sizes = [1], strides = [1]} : vector<16xi32> to vector<1xi32>
        %squeeze3A_391 = vector.extract %slice3A_390[0] : i32 from vector<1xi32>
        %dma_start3A_392 = arith.constant 0 : i32
        %dma_start3A_393 = arith.constant 0 : i32
        %dma_start3A_394 = tpu.memref_slice %arg7[%scan3A_142, %dma_start3A_392, %dma_start3A_393] : memref<16x20x32xf32, #tpu.memory_space<vmem>> -> memref<1x20x32xf32, #tpu.memory_space<vmem>>
        %dma_start3A_395 = tpu.memref_squeeze %dma_start3A_394 : memref<1x20x32xf32, #tpu.memory_space<vmem>> -> memref<20x32xf32, #tpu.memory_space<vmem>>
        %dma_start3A_396 = arith.constant 12 : i32
        %dma_start3A_397 = arith.constant 0 : i32
        %dma_start3A_398 = tpu.memref_slice %dma_start3A_395[%dma_start3A_396, %dma_start3A_397] : memref<20x32xf32, #tpu.memory_space<vmem>> -> memref<1x32xf32, #tpu.memory_space<vmem>>
        %dma_start3A_399 = arith.constant 0 : i32
        %dma_start3A_400 = tpu.memref_slice %arg3[%squeeze3A_391, %dma_start3A_399] : memref<1000000x32xf32, #tpu.memory_space<hbm>> -> memref<1x32xf32, #tpu.memory_space<hbm>>
        %dma_start3A_401 = arith.constant 0 : i32
        %dma_start3A_402 = arith.constant 0 : i32
        %dma_start3A_403 = tpu.memref_slice %arg7[%scan3A_142, %dma_start3A_401, %dma_start3A_402] : memref<16x20x32xf32, #tpu.memory_space<vmem>> -> memref<1x20x32xf32, #tpu.memory_space<vmem>>
        %dma_start3A_404 = tpu.memref_squeeze %dma_start3A_403 : memref<1x20x32xf32, #tpu.memory_space<vmem>> -> memref<20x32xf32, #tpu.memory_space<vmem>>
        %dma_start3A_405 = arith.constant 12 : i32
        %dma_start3A_406 = arith.constant 0 : i32
        %dma_start3A_407 = tpu.memref_slice %dma_start3A_404[%dma_start3A_405, %dma_start3A_406] : memref<20x32xf32, #tpu.memory_space<vmem>> -> memref<1x32xf32, #tpu.memory_space<vmem>>
        %dma_start3A_408 = arith.constant 0 : i32
        %dma_start3A_409 = tpu.memref_slice %arg3[%squeeze3A_391, %dma_start3A_408] : memref<1000000x32xf32, #tpu.memory_space<hbm>> -> memref<1x32xf32, #tpu.memory_space<hbm>>
        tpu.enqueue_dma source(%dma_start3A_409 : memref<1x32xf32, #tpu.memory_space<hbm>>) target(%dma_start3A_407 : memref<1x32xf32, #tpu.memory_space<vmem>>) target_semaphore(%arg9 : memref<!tpu.dma_semaphore, #tpu.memory_space<semaphore_mem>>)
        %slice3A_410 = vector.extract_strided_slice %get3A_146 {offsets = [13], sizes = [1], strides = [1]} : vector<16xi32> to vector<1xi32>
        %squeeze3A_411 = vector.extract %slice3A_410[0] : i32 from vector<1xi32>
        %dma_start3A_412 = arith.constant 0 : i32
        %dma_start3A_413 = arith.constant 0 : i32
        %dma_start3A_414 = tpu.memref_slice %arg7[%scan3A_142, %dma_start3A_412, %dma_start3A_413] : memref<16x20x32xf32, #tpu.memory_space<vmem>> -> memref<1x20x32xf32, #tpu.memory_space<vmem>>
        %dma_start3A_415 = tpu.memref_squeeze %dma_start3A_414 : memref<1x20x32xf32, #tpu.memory_space<vmem>> -> memref<20x32xf32, #tpu.memory_space<vmem>>
        %dma_start3A_416 = arith.constant 13 : i32
        %dma_start3A_417 = arith.constant 0 : i32
        %dma_start3A_418 = tpu.memref_slice %dma_start3A_415[%dma_start3A_416, %dma_start3A_417] : memref<20x32xf32, #tpu.memory_space<vmem>> -> memref<1x32xf32, #tpu.memory_space<vmem>>
        %dma_start3A_419 = arith.constant 0 : i32
        %dma_start3A_420 = tpu.memref_slice %arg3[%squeeze3A_411, %dma_start3A_419] : memref<1000000x32xf32, #tpu.memory_space<hbm>> -> memref<1x32xf32, #tpu.memory_space<hbm>>
        %dma_start3A_421 = arith.constant 0 : i32
        %dma_start3A_422 = arith.constant 0 : i32
        %dma_start3A_423 = tpu.memref_slice %arg7[%scan3A_142, %dma_start3A_421, %dma_start3A_422] : memref<16x20x32xf32, #tpu.memory_space<vmem>> -> memref<1x20x32xf32, #tpu.memory_space<vmem>>
        %dma_start3A_424 = tpu.memref_squeeze %dma_start3A_423 : memref<1x20x32xf32, #tpu.memory_space<vmem>> -> memref<20x32xf32, #tpu.memory_space<vmem>>
        %dma_start3A_425 = arith.constant 13 : i32
        %dma_start3A_426 = arith.constant 0 : i32
        %dma_start3A_427 = tpu.memref_slice %dma_start3A_424[%dma_start3A_425, %dma_start3A_426] : memref<20x32xf32, #tpu.memory_space<vmem>> -> memref<1x32xf32, #tpu.memory_space<vmem>>
        %dma_start3A_428 = arith.constant 0 : i32
        %dma_start3A_429 = tpu.memref_slice %arg3[%squeeze3A_411, %dma_start3A_428] : memref<1000000x32xf32, #tpu.memory_space<hbm>> -> memref<1x32xf32, #tpu.memory_space<hbm>>
        tpu.enqueue_dma source(%dma_start3A_429 : memref<1x32xf32, #tpu.memory_space<hbm>>) target(%dma_start3A_427 : memref<1x32xf32, #tpu.memory_space<vmem>>) target_semaphore(%arg9 : memref<!tpu.dma_semaphore, #tpu.memory_space<semaphore_mem>>)
        %slice3A_430 = vector.extract_strided_slice %get3A_146 {offsets = [14], sizes = [1], strides = [1]} : vector<16xi32> to vector<1xi32>
        %squeeze3A_431 = vector.extract %slice3A_430[0] : i32 from vector<1xi32>
        %dma_start3A_432 = arith.constant 0 : i32
        %dma_start3A_433 = arith.constant 0 : i32
        %dma_start3A_434 = tpu.memref_slice %arg7[%scan3A_142, %dma_start3A_432, %dma_start3A_433] : memref<16x20x32xf32, #tpu.memory_space<vmem>> -> memref<1x20x32xf32, #tpu.memory_space<vmem>>
        %dma_start3A_435 = tpu.memref_squeeze %dma_start3A_434 : memref<1x20x32xf32, #tpu.memory_space<vmem>> -> memref<20x32xf32, #tpu.memory_space<vmem>>
        %dma_start3A_436 = arith.constant 14 : i32
        %dma_start3A_437 = arith.constant 0 : i32
        %dma_start3A_438 = tpu.memref_slice %dma_start3A_435[%dma_start3A_436, %dma_start3A_437] : memref<20x32xf32, #tpu.memory_space<vmem>> -> memref<1x32xf32, #tpu.memory_space<vmem>>
        %dma_start3A_439 = arith.constant 0 : i32
        %dma_start3A_440 = tpu.memref_slice %arg3[%squeeze3A_431, %dma_start3A_439] : memref<1000000x32xf32, #tpu.memory_space<hbm>> -> memref<1x32xf32, #tpu.memory_space<hbm>>
        %dma_start3A_441 = arith.constant 0 : i32
        %dma_start3A_442 = arith.constant 0 : i32
        %dma_start3A_443 = tpu.memref_slice %arg7[%scan3A_142, %dma_start3A_441, %dma_start3A_442] : memref<16x20x32xf32, #tpu.memory_space<vmem>> -> memref<1x20x32xf32, #tpu.memory_space<vmem>>
        %dma_start3A_444 = tpu.memref_squeeze %dma_start3A_443 : memref<1x20x32xf32, #tpu.memory_space<vmem>> -> memref<20x32xf32, #tpu.memory_space<vmem>>
        %dma_start3A_445 = arith.constant 14 : i32
        %dma_start3A_446 = arith.constant 0 : i32
        %dma_start3A_447 = tpu.memref_slice %dma_start3A_444[%dma_start3A_445, %dma_start3A_446] : memref<20x32xf32, #tpu.memory_space<vmem>> -> memref<1x32xf32, #tpu.memory_space<vmem>>
        %dma_start3A_448 = arith.constant 0 : i32
        %dma_start3A_449 = tpu.memref_slice %arg3[%squeeze3A_431, %dma_start3A_448] : memref<1000000x32xf32, #tpu.memory_space<hbm>> -> memref<1x32xf32, #tpu.memory_space<hbm>>
        tpu.enqueue_dma source(%dma_start3A_449 : memref<1x32xf32, #tpu.memory_space<hbm>>) target(%dma_start3A_447 : memref<1x32xf32, #tpu.memory_space<vmem>>) target_semaphore(%arg9 : memref<!tpu.dma_semaphore, #tpu.memory_space<semaphore_mem>>)
        %slice3A_450 = vector.extract_strided_slice %get3A_146 {offsets = [15], sizes = [1], strides = [1]} : vector<16xi32> to vector<1xi32>
        %squeeze3A_451 = vector.extract %slice3A_450[0] : i32 from vector<1xi32>
        %dma_start3A_452 = arith.constant 0 : i32
        %dma_start3A_453 = arith.constant 0 : i32
        %dma_start3A_454 = tpu.memref_slice %arg7[%scan3A_142, %dma_start3A_452, %dma_start3A_453] : memref<16x20x32xf32, #tpu.memory_space<vmem>> -> memref<1x20x32xf32, #tpu.memory_space<vmem>>
        %dma_start3A_455 = tpu.memref_squeeze %dma_start3A_454 : memref<1x20x32xf32, #tpu.memory_space<vmem>> -> memref<20x32xf32, #tpu.memory_space<vmem>>
        %dma_start3A_456 = arith.constant 15 : i32
        %dma_start3A_457 = arith.constant 0 : i32
        %dma_start3A_458 = tpu.memref_slice %dma_start3A_455[%dma_start3A_456, %dma_start3A_457] : memref<20x32xf32, #tpu.memory_space<vmem>> -> memref<1x32xf32, #tpu.memory_space<vmem>>
        %dma_start3A_459 = arith.constant 0 : i32
        %dma_start3A_460 = tpu.memref_slice %arg3[%squeeze3A_451, %dma_start3A_459] : memref<1000000x32xf32, #tpu.memory_space<hbm>> -> memref<1x32xf32, #tpu.memory_space<hbm>>
        %dma_start3A_461 = arith.constant 0 : i32
        %dma_start3A_462 = arith.constant 0 : i32
        %dma_start3A_463 = tpu.memref_slice %arg7[%scan3A_142, %dma_start3A_461, %dma_start3A_462] : memref<16x20x32xf32, #tpu.memory_space<vmem>> -> memref<1x20x32xf32, #tpu.memory_space<vmem>>
        %dma_start3A_464 = tpu.memref_squeeze %dma_start3A_463 : memref<1x20x32xf32, #tpu.memory_space<vmem>> -> memref<20x32xf32, #tpu.memory_space<vmem>>
        %dma_start3A_465 = arith.constant 15 : i32
        %dma_start3A_466 = arith.constant 0 : i32
        %dma_start3A_467 = tpu.memref_slice %dma_start3A_464[%dma_start3A_465, %dma_start3A_466] : memref<20x32xf32, #tpu.memory_space<vmem>> -> memref<1x32xf32, #tpu.memory_space<vmem>>
        %dma_start3A_468 = arith.constant 0 : i32
        %dma_start3A_469 = tpu.memref_slice %arg3[%squeeze3A_451, %dma_start3A_468] : memref<1000000x32xf32, #tpu.memory_space<hbm>> -> memref<1x32xf32, #tpu.memory_space<hbm>>
        tpu.enqueue_dma source(%dma_start3A_469 : memref<1x32xf32, #tpu.memory_space<hbm>>) target(%dma_start3A_467 : memref<1x32xf32, #tpu.memory_space<vmem>>) target_semaphore(%arg9 : memref<!tpu.dma_semaphore, #tpu.memory_space<semaphore_mem>>)
        %slice3A_470 = vector.extract_strided_slice %get3A_151 {offsets = [12], sizes = [1], strides = [1]} : vector<16xi32> to vector<1xi32>
        %squeeze3A_471 = vector.extract %slice3A_470[0] : i32 from vector<1xi32>
        %dma_start3A_472 = arith.constant 0 : i32
        %dma_start3A_473 = arith.constant 0 : i32
        %dma_start3A_474 = tpu.memref_slice %arg7[%scan3A_142, %dma_start3A_472, %dma_start3A_473] : memref<16x20x32xf32, #tpu.memory_space<vmem>> -> memref<1x20x32xf32, #tpu.memory_space<vmem>>
        %dma_start3A_475 = tpu.memref_squeeze %dma_start3A_474 : memref<1x20x32xf32, #tpu.memory_space<vmem>> -> memref<20x32xf32, #tpu.memory_space<vmem>>
        %dma_start3A_476 = arith.constant 16 : i32
        %dma_start3A_477 = arith.constant 0 : i32
        %dma_start3A_478 = tpu.memref_slice %dma_start3A_475[%dma_start3A_476, %dma_start3A_477] : memref<20x32xf32, #tpu.memory_space<vmem>> -> memref<1x32xf32, #tpu.memory_space<vmem>>
        %dma_start3A_479 = arith.constant 0 : i32
        %dma_start3A_480 = tpu.memref_slice %arg3[%squeeze3A_471, %dma_start3A_479] : memref<1000000x32xf32, #tpu.memory_space<hbm>> -> memref<1x32xf32, #tpu.memory_space<hbm>>
        %dma_start3A_481 = arith.constant 0 : i32
        %dma_start3A_482 = arith.constant 0 : i32
        %dma_start3A_483 = tpu.memref_slice %arg7[%scan3A_142, %dma_start3A_481, %dma_start3A_482] : memref<16x20x32xf32, #tpu.memory_space<vmem>> -> memref<1x20x32xf32, #tpu.memory_space<vmem>>
        %dma_start3A_484 = tpu.memref_squeeze %dma_start3A_483 : memref<1x20x32xf32, #tpu.memory_space<vmem>> -> memref<20x32xf32, #tpu.memory_space<vmem>>
        %dma_start3A_485 = arith.constant 16 : i32
        %dma_start3A_486 = arith.constant 0 : i32
        %dma_start3A_487 = tpu.memref_slice %dma_start3A_484[%dma_start3A_485, %dma_start3A_486] : memref<20x32xf32, #tpu.memory_space<vmem>> -> memref<1x32xf32, #tpu.memory_space<vmem>>
        %dma_start3A_488 = arith.constant 0 : i32
        %dma_start3A_489 = tpu.memref_slice %arg3[%squeeze3A_471, %dma_start3A_488] : memref<1000000x32xf32, #tpu.memory_space<hbm>> -> memref<1x32xf32, #tpu.memory_space<hbm>>
        tpu.enqueue_dma source(%dma_start3A_489 : memref<1x32xf32, #tpu.memory_space<hbm>>) target(%dma_start3A_487 : memref<1x32xf32, #tpu.memory_space<vmem>>) target_semaphore(%arg9 : memref<!tpu.dma_semaphore, #tpu.memory_space<semaphore_mem>>)
        %slice3A_490 = vector.extract_strided_slice %get3A_151 {offsets = [13], sizes = [1], strides = [1]} : vector<16xi32> to vector<1xi32>
        %squeeze3A_491 = vector.extract %slice3A_490[0] : i32 from vector<1xi32>
        %dma_start3A_492 = arith.constant 0 : i32
        %dma_start3A_493 = arith.constant 0 : i32
        %dma_start3A_494 = tpu.memref_slice %arg7[%scan3A_142, %dma_start3A_492, %dma_start3A_493] : memref<16x20x32xf32, #tpu.memory_space<vmem>> -> memref<1x20x32xf32, #tpu.memory_space<vmem>>
        %dma_start3A_495 = tpu.memref_squeeze %dma_start3A_494 : memref<1x20x32xf32, #tpu.memory_space<vmem>> -> memref<20x32xf32, #tpu.memory_space<vmem>>
        %dma_start3A_496 = arith.constant 17 : i32
        %dma_start3A_497 = arith.constant 0 : i32
        %dma_start3A_498 = tpu.memref_slice %dma_start3A_495[%dma_start3A_496, %dma_start3A_497] : memref<20x32xf32, #tpu.memory_space<vmem>> -> memref<1x32xf32, #tpu.memory_space<vmem>>
        %dma_start3A_499 = arith.constant 0 : i32
        %dma_start3A_500 = tpu.memref_slice %arg3[%squeeze3A_491, %dma_start3A_499] : memref<1000000x32xf32, #tpu.memory_space<hbm>> -> memref<1x32xf32, #tpu.memory_space<hbm>>
        %dma_start3A_501 = arith.constant 0 : i32
        %dma_start3A_502 = arith.constant 0 : i32
        %dma_start3A_503 = tpu.memref_slice %arg7[%scan3A_142, %dma_start3A_501, %dma_start3A_502] : memref<16x20x32xf32, #tpu.memory_space<vmem>> -> memref<1x20x32xf32, #tpu.memory_space<vmem>>
        %dma_start3A_504 = tpu.memref_squeeze %dma_start3A_503 : memref<1x20x32xf32, #tpu.memory_space<vmem>> -> memref<20x32xf32, #tpu.memory_space<vmem>>
        %dma_start3A_505 = arith.constant 17 : i32
        %dma_start3A_506 = arith.constant 0 : i32
        %dma_start3A_507 = tpu.memref_slice %dma_start3A_504[%dma_start3A_505, %dma_start3A_506] : memref<20x32xf32, #tpu.memory_space<vmem>> -> memref<1x32xf32, #tpu.memory_space<vmem>>
        %dma_start3A_508 = arith.constant 0 : i32
        %dma_start3A_509 = tpu.memref_slice %arg3[%squeeze3A_491, %dma_start3A_508] : memref<1000000x32xf32, #tpu.memory_space<hbm>> -> memref<1x32xf32, #tpu.memory_space<hbm>>
        tpu.enqueue_dma source(%dma_start3A_509 : memref<1x32xf32, #tpu.memory_space<hbm>>) target(%dma_start3A_507 : memref<1x32xf32, #tpu.memory_space<vmem>>) target_semaphore(%arg9 : memref<!tpu.dma_semaphore, #tpu.memory_space<semaphore_mem>>)
        %slice3A_510 = vector.extract_strided_slice %get3A_151 {offsets = [14], sizes = [1], strides = [1]} : vector<16xi32> to vector<1xi32>
        %squeeze3A_511 = vector.extract %slice3A_510[0] : i32 from vector<1xi32>
        %dma_start3A_512 = arith.constant 0 : i32
        %dma_start3A_513 = arith.constant 0 : i32
        %dma_start3A_514 = tpu.memref_slice %arg7[%scan3A_142, %dma_start3A_512, %dma_start3A_513] : memref<16x20x32xf32, #tpu.memory_space<vmem>> -> memref<1x20x32xf32, #tpu.memory_space<vmem>>
        %dma_start3A_515 = tpu.memref_squeeze %dma_start3A_514 : memref<1x20x32xf32, #tpu.memory_space<vmem>> -> memref<20x32xf32, #tpu.memory_space<vmem>>
        %dma_start3A_516 = arith.constant 18 : i32
        %dma_start3A_517 = arith.constant 0 : i32
        %dma_start3A_518 = tpu.memref_slice %dma_start3A_515[%dma_start3A_516, %dma_start3A_517] : memref<20x32xf32, #tpu.memory_space<vmem>> -> memref<1x32xf32, #tpu.memory_space<vmem>>
        %dma_start3A_519 = arith.constant 0 : i32
        %dma_start3A_520 = tpu.memref_slice %arg3[%squeeze3A_511, %dma_start3A_519] : memref<1000000x32xf32, #tpu.memory_space<hbm>> -> memref<1x32xf32, #tpu.memory_space<hbm>>
        %dma_start3A_521 = arith.constant 0 : i32
        %dma_start3A_522 = arith.constant 0 : i32
        %dma_start3A_523 = tpu.memref_slice %arg7[%scan3A_142, %dma_start3A_521, %dma_start3A_522] : memref<16x20x32xf32, #tpu.memory_space<vmem>> -> memref<1x20x32xf32, #tpu.memory_space<vmem>>
        %dma_start3A_524 = tpu.memref_squeeze %dma_start3A_523 : memref<1x20x32xf32, #tpu.memory_space<vmem>> -> memref<20x32xf32, #tpu.memory_space<vmem>>
        %dma_start3A_525 = arith.constant 18 : i32
        %dma_start3A_526 = arith.constant 0 : i32
        %dma_start3A_527 = tpu.memref_slice %dma_start3A_524[%dma_start3A_525, %dma_start3A_526] : memref<20x32xf32, #tpu.memory_space<vmem>> -> memref<1x32xf32, #tpu.memory_space<vmem>>
        %dma_start3A_528 = arith.constant 0 : i32
        %dma_start3A_529 = tpu.memref_slice %arg3[%squeeze3A_511, %dma_start3A_528] : memref<1000000x32xf32, #tpu.memory_space<hbm>> -> memref<1x32xf32, #tpu.memory_space<hbm>>
        tpu.enqueue_dma source(%dma_start3A_529 : memref<1x32xf32, #tpu.memory_space<hbm>>) target(%dma_start3A_527 : memref<1x32xf32, #tpu.memory_space<vmem>>) target_semaphore(%arg9 : memref<!tpu.dma_semaphore, #tpu.memory_space<semaphore_mem>>)
        %slice3A_530 = vector.extract_strided_slice %get3A_151 {offsets = [15], sizes = [1], strides = [1]} : vector<16xi32> to vector<1xi32>
        %squeeze3A_531 = vector.extract %slice3A_530[0] : i32 from vector<1xi32>
        %dma_start3A_532 = arith.constant 0 : i32
        %dma_start3A_533 = arith.constant 0 : i32
        %dma_start3A_534 = tpu.memref_slice %arg7[%scan3A_142, %dma_start3A_532, %dma_start3A_533] : memref<16x20x32xf32, #tpu.memory_space<vmem>> -> memref<1x20x32xf32, #tpu.memory_space<vmem>>
        %dma_start3A_535 = tpu.memref_squeeze %dma_start3A_534 : memref<1x20x32xf32, #tpu.memory_space<vmem>> -> memref<20x32xf32, #tpu.memory_space<vmem>>
        %dma_start3A_536 = arith.constant 19 : i32
        %dma_start3A_537 = arith.constant 0 : i32
        %dma_start3A_538 = tpu.memref_slice %dma_start3A_535[%dma_start3A_536, %dma_start3A_537] : memref<20x32xf32, #tpu.memory_space<vmem>> -> memref<1x32xf32, #tpu.memory_space<vmem>>
        %dma_start3A_539 = arith.constant 0 : i32
        %dma_start3A_540 = tpu.memref_slice %arg3[%squeeze3A_531, %dma_start3A_539] : memref<1000000x32xf32, #tpu.memory_space<hbm>> -> memref<1x32xf32, #tpu.memory_space<hbm>>
        %dma_start3A_541 = arith.constant 0 : i32
        %dma_start3A_542 = arith.constant 0 : i32
        %dma_start3A_543 = tpu.memref_slice %arg7[%scan3A_142, %dma_start3A_541, %dma_start3A_542] : memref<16x20x32xf32, #tpu.memory_space<vmem>> -> memref<1x20x32xf32, #tpu.memory_space<vmem>>
        %dma_start3A_544 = tpu.memref_squeeze %dma_start3A_543 : memref<1x20x32xf32, #tpu.memory_space<vmem>> -> memref<20x32xf32, #tpu.memory_space<vmem>>
        %dma_start3A_545 = arith.constant 19 : i32
        %dma_start3A_546 = arith.constant 0 : i32
        %dma_start3A_547 = tpu.memref_slice %dma_start3A_544[%dma_start3A_545, %dma_start3A_546] : memref<20x32xf32, #tpu.memory_space<vmem>> -> memref<1x32xf32, #tpu.memory_space<vmem>>
        %dma_start3A_548 = arith.constant 0 : i32
        %dma_start3A_549 = tpu.memref_slice %arg3[%squeeze3A_531, %dma_start3A_548] : memref<1000000x32xf32, #tpu.memory_space<hbm>> -> memref<1x32xf32, #tpu.memory_space<hbm>>
        tpu.enqueue_dma source(%dma_start3A_549 : memref<1x32xf32, #tpu.memory_space<hbm>>) target(%dma_start3A_547 : memref<1x32xf32, #tpu.memory_space<vmem>>) target_semaphore(%arg9 : memref<!tpu.dma_semaphore, #tpu.memory_space<semaphore_mem>>)
      }
      %scan3A_126 = arith.constant 16 : i32
      %dma_wait3A_127 = arith.constant 0 : i32
      %dma_wait3A_128 = arith.constant 0 : i32
      %dma_wait3A_129 = arith.constant 0 : i32
      %dma_wait3A_130 = tpu.memref_slice %arg4[%dma_wait3A_127, %dma_wait3A_128, %dma_wait3A_129] : memref<16384x20x32xf32, #tpu.memory_space<hbm>> -> memref<16x20x32xf32, #tpu.memory_space<hbm>>
      %dma_wait3A_131 = arith.constant 0 : i32
      %dma_wait3A_132 = arith.constant 0 : i32
      %dma_wait3A_133 = arith.constant 0 : i32
      %dma_wait3A_134 = tpu.memref_slice %arg4[%dma_wait3A_131, %dma_wait3A_132, %dma_wait3A_133] : memref<16384x20x32xf32, #tpu.memory_space<hbm>> -> memref<16x20x32xf32, #tpu.memory_space<hbm>>
      tpu.wait_dma2 semaphore(%arg9 : memref<!tpu.dma_semaphore, #tpu.memory_space<semaphore_mem>>) src(%dma_wait3A_134 : memref<16x20x32xf32, #tpu.memory_space<hbm>>) dst(%arg7 : memref<16x20x32xf32, #tpu.memory_space<vmem>>)
      %add3A_135 = arith.addi %mul3A_2, %mul3A_93 : i32
      %dma_start3A_136 = arith.constant 0 : i32
      %dma_start3A_137 = arith.constant 0 : i32
      %dma_start3A_138 = tpu.memref_slice %arg4[%add3A_135, %dma_start3A_136, %dma_start3A_137] : memref<16384x20x32xf32, #tpu.memory_space<hbm>> -> memref<16x20x32xf32, #tpu.memory_space<hbm>>
      %dma_start3A_139 = arith.constant 0 : i32
      %dma_start3A_140 = arith.constant 0 : i32
      %dma_start3A_141 = tpu.memref_slice %arg4[%add3A_135, %dma_start3A_139, %dma_start3A_140] : memref<16384x20x32xf32, #tpu.memory_space<hbm>> -> memref<16x20x32xf32, #tpu.memory_space<hbm>>
      tpu.enqueue_dma source(%arg7 : memref<16x20x32xf32, #tpu.memory_space<vmem>>) target(%dma_start3A_141 : memref<16x20x32xf32, #tpu.memory_space<hbm>>) target_semaphore(%arg11 : memref<!tpu.dma_semaphore, #tpu.memory_space<semaphore_mem>>)
    }
    %scan3A_7 = arith.constant 16 : i32
    %dma_wait3A = arith.constant 0 : i32
    %dma_wait3A_8 = arith.constant 0 : i32
    %dma_wait3A_9 = arith.constant 0 : i32
    %dma_wait3A_10 = tpu.memref_slice %arg4[%dma_wait3A, %dma_wait3A_8, %dma_wait3A_9] : memref<16384x20x32xf32, #tpu.memory_space<hbm>> -> memref<16x20x32xf32, #tpu.memory_space<hbm>>
    %dma_wait3A_11 = arith.constant 0 : i32
    %dma_wait3A_12 = arith.constant 0 : i32
    %dma_wait3A_13 = arith.constant 0 : i32
    %dma_wait3A_14 = tpu.memref_slice %arg4[%dma_wait3A_11, %dma_wait3A_12, %dma_wait3A_13] : memref<16384x20x32xf32, #tpu.memory_space<hbm>> -> memref<16x20x32xf32, #tpu.memory_space<hbm>>
    tpu.wait_dma2 semaphore(%arg10 : memref<!tpu.dma_semaphore, #tpu.memory_space<semaphore_mem>>) src(%dma_wait3A_14 : memref<16x20x32xf32, #tpu.memory_space<hbm>>) dst(%arg6 : memref<16x20x32xf32, #tpu.memory_space<vmem>>)
    %dma_wait3A_15 = arith.constant 0 : i32
    %dma_wait3A_16 = arith.constant 0 : i32
    %dma_wait3A_17 = arith.constant 0 : i32
    %dma_wait3A_18 = tpu.memref_slice %arg4[%dma_wait3A_15, %dma_wait3A_16, %dma_wait3A_17] : memref<16384x20x32xf32, #tpu.memory_space<hbm>> -> memref<16x20x32xf32, #tpu.memory_space<hbm>>
    %dma_wait3A_19 = arith.constant 0 : i32
    %dma_wait3A_20 = arith.constant 0 : i32
    %dma_wait3A_21 = arith.constant 0 : i32
    %dma_wait3A_22 = tpu.memref_slice %arg4[%dma_wait3A_19, %dma_wait3A_20, %dma_wait3A_21] : memref<16384x20x32xf32, #tpu.memory_space<hbm>> -> memref<16x20x32xf32, #tpu.memory_space<hbm>>
    tpu.wait_dma2 semaphore(%arg11 : memref<!tpu.dma_semaphore, #tpu.memory_space<semaphore_mem>>) src(%dma_wait3A_22 : memref<16x20x32xf32, #tpu.memory_space<hbm>>) dst(%arg7 : memref<16x20x32xf32, #tpu.memory_space<vmem>>)
    return
  }
}

</mosaic_0001>

<sc_bundles>
// kernel: kernel.3.cloned.1.call-start
scs
__scs_entry_jumppad:
0x0: {  	(pc) =	sbr.rel $0x88, $3  }
0x1: {  	(tag) =	ssettag $0x0;
	lr =	simm.s32 $0x1  }
0x2: {  	[smem:$0x3F9F] =	sst lr;
	_ =	strace $0xD0000000  }
0x3: {  	_ = 	snop  }
0x4: {  	_ = 	snop  }
0x5: {  	_ = 	snop  }
0x6: {  	_ = 	snop  }
0x7: {  	_ = 	snop  }
__scs_overlays_trampoline_lowered:
0x8: {  	[smem:$0x3FAE] =	sst s0  }
0x9: {  	[smem:$0x3FAF] =	sst s1  }
0xa: {  	[smem:$0x3FB0] =	sst s2  }
0xb: {  	[smem:$0x3FB1] =	sst s3  }
0xc: {  	[smem:$0x3FB2] =	sst s4  }
0xd: {  	[smem:$0x3FB3] =	sst s5  }
0xe: {  	[smem:$0x3FB4] =	sst s6  }
0xf: {  	[smem:$0x3FB5] =	sst s7  }
0x10: {  	[smem:$0x3FB6] =	sst s8  }
0x11: {  	[smem:$0x3FB7] =	sst s9;
	s0 =	simm.s32 @!p0 $0x0  }
0x12: {  	s1 =	sld [smem:$0x3F9D];
	s0 =	simm.s32 @p0 $0x1  }
0x13: {  	[smem:$0x3FB8] =	sst s0;
	s0 =	simm.s32 @!p1 $0x0  }
0x14: {  	s2 =	sld [smem:$0x3F9C];
	s0 =	simm.s32 @p1 $0x1  }
0x15: {  	[smem:$0x3FB9] =	sst s0;
	s0 =	simm.s32 @!p2 $0x0  }
0x16: {  	s3 =	sld [smem:$0x3FDB];
	s0 =	simm.s32 @p2 $0x1  }
0x17: {  	s4 =	simm.s32 $0x1BF5;
	[smem:$0x3FBB] =	sst s0  }
0x18: {  	s0 =	sld [smem:$0x3F9E];
	_ =	swait.ge [sflag:s4], $0x0  }
0x19: {  	s7 =	sld [smem:$0x3F9F]  }
0x1a: {  	s8 =	sadd.s32 $0xFFFFE003, lr  }
0x1b: {  	s9 =	sadd.s32 $0xFFFFFEF7, lr;
	s5 =	simm.s32 $0xFFFFFFFF;
	p2 =	slt.u32 s8, $0xFFFFF086  }
0x1c: {  	p1 =	slt.u32 s9, $0xF7A;
	s5 =	simm.s32 @!p2 $0x0  }
0x1d: {  	s5 =	simm.s32 @p1 $0x1;
	p0 =	seq.s32 s7, s2  }
0x1e: {  	s7 =	smul.u32 @!p0 $0xF7A, s2;
	p2 =	seq.s32 @!p0 s5, $0x0  }
0x1f: {  	s9 =	smul.u32 $0xF7A, s1;
	s8 =	simm.s32 @!p0 $0x1BF5;
	p2 =	por !p2, p0  }
0x20: {  	[sflag:s8] =	ssyncset.s32 @!p0 $0xFFFFF086;
	s6 =	sadd.s32 @!p0 s3, s7;
	s7 =	simm.s32 @!p0 $0x108  }
0x21: {  	s3 =	sadd.s32 s3, s9;
	s6 =	sadd.s32 @!p0 $0x88, s6;
	s7 =	simm.s32 @p2 $0x1082  }
0x22: {  	[simem:s7], [sflag:s8] =	dma.local @!p0 [hbm:s6], $0xF7A  }
0x23: {  	s9 =	sor.u32 $0xD0000000, s2;
	s6 =	simm.s32 $0x108;
	_ =	swait.ge @!p0 [sflag:s8], $0x0  }
0x24: {  	s3 =	sadd.s32 $0x88, s3;
	s6 =	simm.s32 @!p1 $0x1082;
	[sflag:s4] =	ssyncset.s32 $0xFFFFF086  }
0x25: {  	[simem:s6], [sflag:s4] =	dma.local [hbm:s3], $0xF7A  }
0x26: {  	[smem:$0x3F9F] =	sst s1;
	(tag) =	ssettag s2;
	_ =	strace s9  }
0x27: {  	s1 =	sld [smem:$0x3FAF]  }
0x28: {  	s2 =	sld [smem:$0x3FB0]  }
0x29: {  	s4 =	sld [smem:$0x3FB2]  }
0x2a: {  	p0 =	seq.s32 s5, $0x0;
	s5 =	sld [smem:$0x3FB3]  }
0x2b: {  	s6 =	sld [smem:$0x3FB4]  }
0x2c: {  	s7 =	sld [smem:$0x3FB5]  }
0x2d: {  	s3 =	simm.s32 $0x108;
	s8 =	sld [smem:$0x3FB6]  }
0x2e: {  	s3 =	simm.s32 @!p0 $0x1082;
	s9 =	sld [smem:$0x3FB7]  }
0x2f: {  	lr =	sadd.s32 s0, s3;
	s0 =	sld [smem:$0x3FAE]  }
0x30: {  	s3 =	sld [smem:$0x3FB1]  }
0x31: {  	[smem:$0x3FBA] =	sst s10  }
0x32: {  	s10 =	sld [smem:$0x3FB8];
	_ =	sdelay $0x3  }
0x33: {  	p0 =	seq.s32 s10, $0x1;
	s10 =	sld [smem:$0x3FBA];
	_ =	sdelay $0x3  }
0x34: {  	[smem:$0x3FBA] =	sst s10  }
0x35: {  	s10 =	sld [smem:$0x3FB9];
	_ =	sdelay $0x3  }
0x36: {  	p1 =	seq.s32 s10, $0x1;
	s10 =	sld [smem:$0x3FBA];
	_ =	sdelay $0x3  }
0x37: {  	[smem:$0x3FBA] =	sst s10  }
0x38: {  	s10 =	sld [smem:$0x3FBB]  }
0x39: {  	_ = 	snop;
	(pc) =	sbr.ind lr, $3  }
0x3a: {  	_ = 	snop  }
0x3b: {  	_ = 	snop  }
0x3c: {  	p2 =	seq.s32 s10, $0x1;
	s10 =	sld [smem:$0x3FBA]  }
0x3d: {  	_ =	shalt  }
0x3e: {  	_ =	shalt  }
0x3f: {  	_ =	shalt  }
0x40: {  	_ =	shalt  }
0x41: {  	_ =	shalt  }
0x42: {  	_ =	shalt  }
0x43: {  	_ =	shalt  }
0x44: {  	_ =	shalt  }
0x45: {  	_ =	shalt  }
0x46: {  	_ =	shalt  }
0x47: {  	_ =	shalt  }
0x48: {  	_ =	shalt  }
0x49: {  	_ =	shalt  }
0x4a: {  	_ =	shalt  }
0x4b: {  	_ =	shalt  }
0x4c: {  	_ =	shalt  }
0x4d: {  	_ =	shalt  }
0x4e: {  	_ =	shalt  }
0x4f: {  	_ =	shalt  }
0x50: {  	_ =	shalt  }
0x51: {  	_ =	shalt  }
0x52: {  	_ =	shalt  }
0x53: {  	_ =	shalt  }
0x54: {  	_ =	shalt  }
0x55: {  	_ =	shalt  }
0x56: {  	_ =	shalt  }
0x57: {  	_ =	shalt  }
0x58: {  	_ =	shalt  }
0x59: {  	_ =	shalt  }
0x5a: {  	_ =	shalt  }
0x5b: {  	_ =	shalt  }
0x5c: {  	_ =	shalt  }
0x5d: {  	_ =	shalt  }
0x5e: {  	_ =	shalt  }
0x5f: {  	_ =	shalt  }
0x60: {  	_ =	shalt  }
0x61: {  	_ =	shalt  }
0x62: {  	_ =	shalt  }
0x63: {  	_ =	shalt  }
0x64: {  	_ =	shalt  }
0x65: {  	_ =	shalt  }
0x66: {  	_ =	shalt  }
0x67: {  	_ =	shalt  }
0x68: {  	_ =	shalt  }
0x69: {  	_ =	shalt  }
0x6a: {  	_ =	shalt  }
0x6b: {  	_ =	shalt  }
0x6c: {  	_ =	shalt  }
0x6d: {  	_ =	shalt  }
0x6e: {  	_ =	shalt  }
0x6f: {  	_ =	shalt  }
0x70: {  	_ =	shalt  }
0x71: {  	_ =	shalt  }
0x72: {  	_ =	shalt  }
0x73: {  	_ =	shalt  }
0x74: {  	_ =	shalt  }
0x75: {  	_ =	shalt  }
0x76: {  	_ =	shalt  }
0x77: {  	_ =	shalt  }
0x78: {  	_ =	shalt  }
0x79: {  	_ =	shalt  }
0x7a: {  	_ =	shalt  }
0x7b: {  	_ =	shalt  }
0x7c: {  	_ =	shalt  }
0x7d: {  	_ =	shalt  }
0x7e: {  	_ =	shalt  }
0x7f: {  	_ =	shalt  }
0x80: {  	_ =	shalt  }
0x81: {  	_ =	shalt  }
0x82: {  	_ =	shalt  }
0x83: {  	_ =	shalt  }
0x84: {  	_ =	shalt  }
0x85: {  	_ =	shalt  }
0x86: {  	_ =	shalt  }
0x87: {  	_ =	shalt  }
.Lfunc_end0:
.L_simem_size_0:
called_computation_lowered:
.L_overlay_start_0:
0x88: {  	s2 =	sld [smem:$0x3FD9]  }
0x89: {  	s3 =	sld [smem:$0x3FFE];
	_ =	sdelay $0x1  }
0x8a: {  	s1 =	srdreg.scid  }
0x8b: {  	s0 =	sand.u32 $0x1, s1  }
0x8c: {  	s17 =	sshll.u32 s0, $0xA;
	s2 =	sadd.s32 s3, s2  }
0x8d: {  	s2 =	sadd.s32 s2, s17  }
0x8e: {  	[smem:$0x3FC6] =	sst s2  }
0x8f: {  	_ = 	snop  }
0x90: {  	s2 =	sld [smem:$0x3FD0];
	(tm) =	ssettm $0x1  }
0x91: {  	s18 =	sld [smem:$0x3FFB];
	_ =	sdelay $0x3  }
0x92: {  	_ =	strace s18  }
0x93: {  	s3 =	sld [smem:$0x3FFC];
	_ =	sdelay $0x3  }
0x94: {  	_ =	strace s3  }
0x95: {  	s3 =	sld [smem:$0x3FFD];
	_ =	sdelay $0x3  }
0x96: {  	_ =	strace s3  }
0x97: {  	_ =	strace $0x8FFFFFFF  }
0x98: {  	s19 =	sld [smem:$0x3FDB];
	_ =	sdelay $0x1  }
0x99: {  	s4 =	simm.s32 $_scs_section_size  }
0x9a: {  	s5 =	simm.s32 $_size__tile_overlayer_lowered;
	s6 =	simm.s32 $_tile_overlayer_lowered  }
0x9b: {  	s22 =	simm.s32 $0x1BFF;
	s21 =	sshll.u32 s6, $0x1;
	s3 =	sadd.s32 s4, s19  }
0x9c: {  	s7 =	simm.s32 $0x0;
	s20 =	sshll.u32 s5, $0x1;
	s5 =	sadd.s32 s21, s3  }
0x9d: {  	[timem:s7], [sflag:s22] =	dma.local [hbm:s5], s20  }
0x9e: {  	_ =	swait.ge [sflag:s22], s20  }
0x9f: {  	s4 =	ssub.s32 $0x0, s20;
	[sflag:s22] =	ssyncset.done $0x0  }
0xa0: {  	[sflag:s22] =	ssyncadd.s32 s4;
	_ =	sdelay $0x1  }
0xa1: {  	s23 =	simm.s32 $0x1B8B  }
0xa2: {  	_ =	swait.ge [sflag:s23], $0x1  }
0xa3: {  	[sflag:s23] =	ssyncset.done $0x0  }
0xa4: {  	s25 =	simm.s32 $0x1B8E;
	s24 =	sld [smem:$0x3FFE];
	[sflag:s23] =	ssyncadd.s32 $0xFFFFFFFF  }
0xa5: {  	s26 =	simm.s32 $execute0_lowered;
	[smem:$0x3FD2] =	sst s25  }
0xa6: {  	s5 =	sshll.u32 s26, $0x1;
	_ =	strace $0x80000046;
	[dreg:$0x1] =	wrdreg $0xFFFFFFFF  }
0xa7: {  	s28 =	simm.s32 $_size_execute0_lowered;
	s3 =	sadd.s32 s3, s5;
	[dreg:$0x0] =	wrdreg $0x0  }
0xa8: {  	s5 =	sshll.u32 s28, $0x1;
	[dreg:$0x2] =	wrdreg s3  }
0xa9: {  	[dreg:$0x3] =	wrdreg s5  }
0xaa: {  	[dreg:$0x4] =	wrdreg $0xC0  }
0xab: {  	_ =	task [dreg:s7], $0x5FFFF  }
0xac: {  	[dreg:$0x1] =	wrdreg $0xFFFFFFFF  }
0xad: {  	[dreg:$0x0] =	wrdreg $0x60  }
0xae: {  	[dreg:$0x2] =	wrdreg s2  }
0xaf: {  	[dreg:$0x3] =	wrdreg s24  }
0xb0: {  	[dreg:$0x4] =	wrdreg $0x9  }
0xb1: {  	_ =	task.clear_ibuf [dreg:s7], $0x5FFFF;
	_ =	strace $0x90000046  }
0xb2: {  	s29 =	simm.s32 $0x9;
	_ =	strace $0x80000048  }
0xb3: {  	_ =	swait.ge [sflag:s29], $0x1  }
0xb4: {  	[sflag:s29] =	ssyncadd.s32 $0xFFFFFFFF  }
0xb5: {  	_ =	strace $0x90000048  }
0xb6: {  	_ =	sfence  }
0xb7: {  	s30 =	sld [smem:$0x0];
	_ =	sdelay $0x2  }
0xb8: {  	s31 =	sshll.u32 s1, $0xD;
	s1 =	sshrl.u32 s1, $0x2  }
0xb9: {  	s3 =	sand.u32 $0x4000, s31;
	s1 =	sadd.s32 s1, s30  }
0xba: {  	s0 =	sor.u32 s3, s0;
	s1 =	sshll.u32 s1, $0x11  }
0xbb: {  	s0 =	sor.u32 s1, s0  }
0xbc: {  	s0 =	sadd.s32 $0x8F2B, s0  }
0xbd: {  	[sflag:s0] =	ssyncadd.remote.s32 $0x1  }
0xbe: {  	_ =	sfence.sel $0xFFFF  }
0xbf: {  	[dreg:$0x0] =	wrdreg $0xFFFFFFFF;
	(pc) =	sbr.abs _section_cstart, $3  }
0xc0: {  	[dreg:$0x1] =	wrdreg $0xFFFFFFFF  }
0xc1: {  	_ =	task.clear_ibuf [dreg:s7], $0x2FFFF;
	_ =	strace $0x9FFFFFFF  }
0xc2: {  	(tm) =	ssettm $0x7FFFFFFF  }
0xc3: {  	_ =	shalt  }
tec
execute0_lowered:
.L_overlay_start_1:
0x0: {  	(tag) =	ssettag $0x1  }
0x1: {  	s0 =	rddreg [dreg:$0x0]  }
0x2: {  	s1 =	rddreg [dreg:$0x1];
	s3 =	srdreg.scid  }
0x3: {  	s2 =	simm.s32 $0x0;
	s4 =	stileid.u32;
	s9 =	simm.s32 $0x1  }
0x4: {  	s26 =	simm.s32 $0x2;
	s18 =	simm.s32 $0x3;
	s3 =	sand.u32 $0x1, s3  }
0x5: {  	[smem:$0x7FF] =	sst s2;
	s4 =	sshll.u32 s4, $0xA;
	s5 =	sshll.u32 s3, $0x9  }
.Ltmp0:
0x6: {  	s6 =	ssub.s32 $0x2, s3;
	s3 =	sor.u32 s5, s4;
	(pc) =	sbr.rel .LBB2_1-.Ltmp0, $4  }
0x7: {  	_ =	strace $0x80000047;
	s7 =	sshrl.u32 s6, $0x1;
	s8 =	sshll.u32 s3, $0x4  }
0x8: {  	s4 =	sadd.s32 $0x400, s1;
	s30 =	ssub.s32 s6, s7;
	s0 =	sadd.s32 s0, s8  }
0x9: {  	s5 =	sadd.s32 $0xF42800, s1;
	s31 =	smax.u32 s30, $0x1;
	[dreg:$0x3] =	wrdreg s0  }
0xa: {  	s6 =	simm.s32 $0x0;
	s8 =	simm.s32 $0x5;
	[dreg:$0x4] =	wrdreg s31  }
.LBB2_12:
0xb: {  	_ =	swait.ge [sflag:s18], $0xA000  }
0xc: {  	[sflag:s18] =	ssyncset.done $0x0  }
0xd: {  	s1 =	simm.s32 $0x4;
	[sflag:s18] =	ssyncadd.s32 $0xFFFF6000  }
0xe: {  	_ =	swait.ge [sflag:s1], $0xA000  }
0xf: {  	s6 =	rddreg [dreg:$0x5]  }
0x10: {  	s0 =	rddreg [dreg:$0x4];
	s6 =	sadd.s32 $0x1, s6  }
0x11: {  	p0 =	sne.s32 s6, s0  }
.Ltmp1:
0x12: {  	_ = 	snop;
	(pc) =	sbr.rel @!p0 .LBB2_13-.Ltmp1, $3  }
0x13: {  	_ =	sdelay $0x1  }
0x14: {  	[sflag:s1] =	ssyncset.done $0x0  }
0x15: {  	[sflag:s1] =	ssyncadd.s32 $0xFFFF6000  }
.LBB2_1:
0x16: {  	[dreg:$0x5] =	wrdreg s6;
	s19 =	simm.s32 $0x0  }
.LBB2_2:
0x17: {  	s0 =	sand.u32 $0x3, s19  }
0x18: {  	p0 =	seq.s32 s0, $0x0  }
.Ltmp2:
0x19: {  	_ = 	snop;
	(pc) =	sbr.rel @p0 .LBB2_5-.Ltmp2, $1  }
0x1a: {  	_ =	sdelay $0x3  }
.Ltmp3:
0x1b: {  	(pc) =	sbr.rel .LBB2_4-.Ltmp3, $2  }
0x1c: {  	_ =	sdelay $0x2  }
0x1d: {  	s0 =	sshll.u32 s0, $0x5  }
.LBB2_5:
0x1e: {  	s0 =	sshll.u32 s19, $0x9;
	s1 =	rddreg [dreg:$0x3];
	p0 =	seq.s32 s19, $0x0  }
.Ltmp4:
0x1f: {  	s1 =	sadd.s32 s0, s1;
	s0 =	simm.s32 $0x0;
	(pc) =	sbr.rel @p0 .LBB2_6-.Ltmp4, $4  }
0x20: {  	[tilespmem:s0], [sflag:$0x5] =	stream.linear.gather [hbm4b:s1+s0], $0x4000, $0x38;
	[tilespmem:$0x1C000] =	vst v63  }
0x21: {  	_ =	swait.ge [sflag:s8], $0x4000  }
0x22: {  	[sflag:s8] =	ssyncset.done $0x0  }
0x23: {  	[sflag:s8] =	ssyncadd.s32 $0xFFFFC000  }
.LBB2_4:
0x24: {  	_ =	swait.ge [sflag:s18], $0xA000  }
0x25: {  	[sflag:s18] =	ssyncset.done $0x0  }
0x26: {  	s20 =	sshll.u32 s19, $0x5;
	p0 =	por $0x0, $0x0;
	[sflag:s18] =	ssyncadd.s32 $0xFFFF6000  }
.LBB2_7:
0x27: {  	s0 =	sshll.u32 s0, $0x9  }
0x28: {  	s21 =	sshrl.u32 s0, $0x2  }
0x29: {  	s0 =	sor.u32 $0x4, s21  }
0x2a: {  	v0 =	vld [tilespmem:s0+$0xFFFFFFFC];
	_ =	sdelay $0x4  }
0x2b: {  	v1 =	vshll.u32 v0, $0x4  }
0x2c: {  	(v2sf) =	vpush v1, $0x2  }
0x2d: {  	(v2sf) =	vpush v1, $0x0  }
0x2e: {  	(v2sf) =	vpush v1, $0x1  }
0x2f: {  	(v2sf) =	vpush v1, $0x3;
	_ =	sdelay $0x1  }
0x30: {  	(v2sf) =	vpush v1, $0x4;
	_ =	sdelay $0x1  }
0x31: {  	(v2sf) =	vpush v1, $0x5;
	_ =	sdelay $0x1  }
0x32: {  	(v2sf) =	vpush v1, $0x6;
	_ =	sdelay $0x4  }
0x33: {  	(v2sf) =	vpush v1, $0x7  }
0x34: {  	s23 =	simm.s32 $0x3000;
	s1 =	simm.s32 $0x4000;
	(v2sf) =	vpush v1, $0x8;
	s29 =	spop (v2sf)  }
0x35: {  	s6 =	simm.s32 $0x4080;
	s7 =	simm.s32 $0x4100;
	s14 =	spop (v2sf)  }
0x36: {  	s24 =	sadd.s32 $0x80, s0;
	s14 =	sand.u32 $0x1FFFFFF0, s14;
	s15 =	spop (v2sf)  }
0x37: {  	s14 =	sadd.s32 s4, s14;
	s15 =	sand.u32 $0x1FFFFFF0, s15;
	s16 =	spop (v2sf)  }
0x38: {  	v0 =	vld [tilespmem:s0+$0x0];
	(v2sf) =	vpush v1, $0x9;
	[tilespmem:s1], [sflag:$0x1] =	stream.linear.gather [hbm4b:s14+s2], $0x80, $0x38  }
0x39: {  	s0 =	sand.u32 $0x1FFFFFF0, s29;
	s17 =	sadd.s32 s4, s15;
	s14 =	spop (v2sf)  }
0x3a: {  	[tilespmem:s6], [sflag:$0x1] =	stream.linear.gather [hbm4b:s17+s2], $0x80, $0x38;
	[tilespmem:$0x1C000] =	vst v63  }
0x3b: {  	s0 =	sadd.s32 s4, s0;
	s1 =	sand.u32 $0x1FFFFFF0, s16;
	s16 =	spop (v2sf)  }
0x3c: {  	(v2sf) =	vpush v1, $0xA;
	[tilespmem:s7], [sflag:$0x1] =	stream.linear.gather [hbm4b:s0+s2], $0x80, $0x38;
	[tilespmem:$0x1C000] =	vst v63  }
0x3d: {  	s22 =	simm.s32 $0x0;
	s10 =	simm.s32 $0x4380;
	s7 =	spop (v2sf);
	(v2sf) =	vpush v1, $0xB  }
0x3e: {  	s11 =	simm.s32 $0x4300;
	s31 =	simm.s32 $0x4280;
	s30 =	simm.s32 $0x4400  }
0x3f: {  	s12 =	simm.s32 $0x4200;
	s13 =	simm.s32 $0x4180;
	s28 =	simm.s32 $0x4800  }
0x40: {  	s25 =	simm.s32 $0x4880;
	s29 =	simm.s32 $0x4780;
	s1 =	sadd.s32 s4, s1  }
0x41: {  	(v2sf) =	vpush v1, $0xC;
	[tilespmem:s13], [sflag:$0x1] =	stream.linear.gather [hbm4b:s1+s2], $0x80, $0x38;
	[tilespmem:$0x1C000] =	vst v63  }
0x42: {  	s15 =	sand.u32 $0x1FFFFFF0, s14;
	s17 =	sand.u32 $0x1FFFFFF0, s16;
	s13 =	spop (v2sf)  }
0x43: {  	s0 =	sadd.s32 s4, s15;
	s1 =	sadd.s32 s4, s17;
	(v2sf) =	vpush v1, $0xD;
	s15 =	spop (v2sf)  }
0x44: {  	[tilespmem:s12], [sflag:$0x1] =	stream.linear.gather [hbm4b:s0+s2], $0x80, $0x38;
	[tilespmem:$0x1C000] =	vst v63  }
0x45: {  	s14 =	sand.u32 $0x1FFFFFF0, s13;
	(v2sf) =	vpush v1, $0xE;
	s12 =	sand.u32 $0x1FFFFFF0, s7;
	s16 =	sand.u32 $0x1FFFFFF0, s15  }
0x46: {  	[tilespmem:s31], [sflag:$0x1] =	stream.linear.gather [hbm4b:s1+s2], $0x80, $0x38;
	[tilespmem:$0x1C000] =	vst v63  }
0x47: {  	s17 =	spop (v2sf);
	(v2sf) =	vpush v1, $0xF;
	s0 =	sadd.s32 s4, s12;
	s7 =	sadd.s32 s4, s16  }
0x48: {  	v0 =	vshll.u32 v0, $0x4;
	[tilespmem:s11], [sflag:$0x1] =	stream.linear.gather [hbm4b:s0+s2], $0x80, $0x38;
	[tilespmem:$0x1C000] =	vst v63  }
0x49: {  	s6 =	sand.u32 $0x1FFFFFF0, s17;
	(v2sf) =	vpush v0, $0xC;
	s1 =	sadd.s32 s4, s14;
	s31 =	simm.s32 $0x4700  }
0x4a: {  	[tilespmem:s10], [sflag:$0x1] =	stream.linear.gather [hbm4b:s1+s2], $0x80, $0x38;
	[tilespmem:$0x1C000] =	vst v63  }
0x4b: {  	(v2sf) =	vpush v0, $0xD;
	s0 =	simm.s32 $0x4680;
	s1 =	simm.s32 $0x4600;
	s10 =	spop (v2sf)  }
.LBB2_8:
0x4c: {  	s11 =	sadd.s32 $0x4480, s22;
	s12 =	sadd.s32 $0x4580, s22;
	s13 =	spop (v2sf)  }
0x4d: {  	[tilespmem:s30], [sflag:$0x1] =	stream.linear.gather [hbm4b:s7+s2], $0x80, $0x38;
	(v2sf) =	vpush v0, $0xE;
	[tilespmem:$0x1C000] =	vst v63  }
0x4e: {  	s6 =	sadd.s32 s4, s6;
	s7 =	sand.u32 $0x1FFFFFF0, s10;
	s10 =	sand.u32 $0x1FFFFFF0, s13  }
0x4f: {  	[tilespmem:s11], [sflag:$0x1] =	stream.linear.gather [hbm4b:s6+s2], $0x80, $0x38;
	(v2sf) =	vpush v0, $0xF;
	[tilespmem:$0x1C000] =	vst v63  }
0x50: {  	s7 =	sadd.s32 s4, s7;
	s6 =	sadd.s32 $0x4500, s22;
	s11 =	spop (v2sf)  }
0x51: {  	[tilespmem:s6], [sflag:$0x1] =	stream.linear.gather [hbm4b:s7+s2], $0x80, $0x38;
	[tilespmem:$0x1C000] =	vst v63  }
0x52: {  	s6 =	sadd.s32 s4, s10;
	s7 =	sand.u32 $0x1FFFFFF0, s11;
	s10 =	spop (v2sf)  }
0x53: {  	[tilespmem:s12], [sflag:$0x1] =	stream.linear.gather [hbm4b:s6+s2], $0x80, $0x38;
	[tilespmem:$0x1C000] =	vst v63  }
0x54: {  	s6 =	sadd.s32 s4, s7;
	s7 =	sand.u32 $0x1FFFFFF0, s10;
	s10 =	spop (v2sf)  }
0x55: {  	[tilespmem:s1], [sflag:$0x1] =	stream.linear.gather [hbm4b:s6+s2], $0x80, $0x38;
	[tilespmem:$0x1C000] =	vst v63  }
0x56: {  	s1 =	sadd.s32 s4, s7;
	s6 =	sand.u32 $0x1FFFFFF0, s10;
	s7 =	spop (v2sf)  }
0x57: {  	[tilespmem:s0], [sflag:$0x1] =	stream.linear.gather [hbm4b:s1+s2], $0x80, $0x38;
	[tilespmem:$0x1C000] =	vst v63  }
0x58: {  	s0 =	sadd.s32 s4, s6;
	s1 =	sand.u32 $0x1FFFFFF0, s7;
	s6 =	spop (v2sf)  }
0x59: {  	[tilespmem:s31], [sflag:$0x1] =	stream.linear.gather [hbm4b:s0+s2], $0x80, $0x38;
	[tilespmem:$0x1C000] =	vst v63  }
0x5a: {  	s0 =	sadd.s32 s4, s1;
	s1 =	sand.u32 $0x1FFFFFF0, s6;
	s6 =	spop (v2sf)  }
0x5b: {  	[tilespmem:s29], [sflag:$0x1] =	stream.linear.gather [hbm4b:s0+s2], $0x80, $0x38;
	[tilespmem:$0x1C000] =	vst v63  }
0x5c: {  	s0 =	sadd.s32 s4, s1;
	s1 =	sand.u32 $0x1FFFFFF0, s6;
	s6 =	spop (v2sf)  }
0x5d: {  	[tilespmem:s28], [sflag:$0x1] =	stream.linear.gather [hbm4b:s0+s2], $0x80, $0x38;
	[tilespmem:$0x1C000] =	vst v63  }
0x5e: {  	s0 =	sadd.s32 s4, s1;
	s1 =	sand.u32 $0x1FFFFFF0, s6;
	s6 =	spop (v2sf)  }
0x5f: {  	[tilespmem:s25], [sflag:$0x1] =	stream.linear.gather [hbm4b:s0+s2], $0x80, $0x38;
	[tilespmem:$0x1C000] =	vst v63  }
0x60: {  	s1 =	sadd.s32 s4, s1;
	s0 =	sadd.s32 $0x4900, s22;
	s6 =	sand.u32 $0x1FFFFFF0, s6  }
0x61: {  	[tilespmem:s0], [sflag:$0x1] =	stream.linear.gather [hbm4b:s1+s2], $0x80, $0x38;
	[tilespmem:$0x1C000] =	vst v63  }
0x62: {  	p1 =	sne.s32 s23, $0x2D000;
	s0 =	sadd.s32 $0x4980, s22;
	s1 =	sadd.s32 s4, s6  }
0x63: {  	[tilespmem:s0], [sflag:$0x1] =	stream.linear.gather [hbm4b:s1+s2], $0x80, $0x38;
	[tilespmem:$0x1C000] =	vst v63  }
0x64: {  	s0 =	smov.u32 s23;
	s23 =	sadd.s32 $0x3000, s23;
	v0 =	vld [tilespmem:s24+$0xFFFFFFFC]  }
0x65: {  	s22 =	sshra.s32 s0, $0x2  }
0x66: {  	v1 =	vld [tilespmem:s24+$0x0]  }
0x67: {  	s12 =	sadd.s32 $0x4000, s22;
	s11 =	sadd.s32 $0x4080, s22;
	_ =	sdelay $0x1  }
0x68: {  	s6 =	sadd.s32 $0x4100, s22;
	v2 =	vshll.u32 v0, $0x4  }
0x69: {  	s0 =	sadd.s32 $0x4380, s22;
	(v2sf) =	vpush v2, $0x2  }
0x6a: {  	v0 =	vshll.u32 v1, $0x4;
	(v2sf) =	vpush v2, $0x0  }
0x6b: {  	s1 =	sadd.s32 $0x4300, s22;
	(v2sf) =	vpush v2, $0x1  }
0x6c: {  	s7 =	sadd.s32 $0x4280, s22;
	s30 =	sadd.s32 $0x4400, s22;
	(v2sf) =	vpush v2, $0x3  }
0x6d: {  	s10 =	sadd.s32 $0x4200, s22  }
0x6e: {  	s13 =	sadd.s32 $0x4180, s22;
	(v2sf) =	vpush v2, $0x4;
	_ =	sdelay $0x1  }
0x6f: {  	(v2sf) =	vpush v2, $0x5;
	_ =	sdelay $0x1  }
0x70: {  	(v2sf) =	vpush v2, $0x6;
	_ =	sdelay $0x1  }
0x71: {  	(v2sf) =	vpush v2, $0x7;
	_ =	sdelay $0x1  }
0x72: {  	(v2sf) =	vpush v2, $0x8  }
0x73: {  	s24 =	sadd.s32 $0x80, s24  }
0x74: {  	s28 =	sadd.s32 $0x4800, s22;
	s25 =	sadd.s32 $0x4880, s22;
	s14 =	spop (v2sf);
	(v2sf) =	vpush v2, $0x9  }
0x75: {  	s29 =	sadd.s32 $0x4780, s22;
	s14 =	sand.u32 $0x1FFFFFF0, s14;
	s15 =	spop (v2sf)  }
0x76: {  	s31 =	sadd.s32 $0x4700, s22;
	s15 =	sand.u32 $0x1FFFFFF0, s15;
	s16 =	spop (v2sf)  }
0x77: {  	s15 =	sadd.s32 s4, s15;
	s16 =	sand.u32 $0x1FFFFFF0, s16;
	s17 =	spop (v2sf)  }
0x78: {  	[tilespmem:s12], [sflag:$0x1] =	stream.linear.gather [hbm4b:s15+s2], $0x80, $0x38;
	(v2sf) =	vpush v2, $0xA;
	[tilespmem:$0x1C000] =	vst v63  }
0x79: {  	s12 =	sadd.s32 s4, s16;
	s15 =	sand.u32 $0x1FFFFFF0, s17;
	s16 =	spop (v2sf);
	(v2sf) =	vpush v2, $0xB  }
0x7a: {  	[tilespmem:s11], [sflag:$0x1] =	stream.linear.gather [hbm4b:s12+s2], $0x80, $0x38;
	[tilespmem:$0x1C000] =	vst v63  }
0x7b: {  	s11 =	sadd.s32 s4, s14;
	s12 =	sand.u32 $0x1FFFFFF0, s16;
	s14 =	spop (v2sf)  }
0x7c: {  	[tilespmem:s6], [sflag:$0x1] =	stream.linear.gather [hbm4b:s11+s2], $0x80, $0x38;
	[tilespmem:$0x1C000] =	vst v63  }
0x7d: {  	s6 =	sadd.s32 s4, s15;
	s11 =	sand.u32 $0x1FFFFFF0, s14;
	s14 =	spop (v2sf);
	(v2sf) =	vpush v2, $0xC  }
0x7e: {  	[tilespmem:s13], [sflag:$0x1] =	stream.linear.gather [hbm4b:s6+s2], $0x80, $0x38;
	[tilespmem:$0x1C000] =	vst v63  }
0x7f: {  	s6 =	sadd.s32 s4, s12;
	s12 =	sand.u32 $0x1FFFFFF0, s14;
	s13 =	spop (v2sf);
	(v2sf) =	vpush v2, $0xD  }
0x80: {  	[tilespmem:s10], [sflag:$0x1] =	stream.linear.gather [hbm4b:s6+s2], $0x80, $0x38;
	[tilespmem:$0x1C000] =	vst v63  }
0x81: {  	s6 =	sadd.s32 s4, s11;
	s10 =	sand.u32 $0x1FFFFFF0, s13;
	s11 =	spop (v2sf);
	(v2sf) =	vpush v2, $0xE  }
0x82: {  	[tilespmem:s7], [sflag:$0x1] =	stream.linear.gather [hbm4b:s6+s2], $0x80, $0x38;
	[tilespmem:$0x1C000] =	vst v63  }
0x83: {  	s6 =	sadd.s32 s4, s12  }
.Ltmp5:
0x84: {  	s7 =	sand.u32 $0x1FFFFFF0, s11;
	s11 =	spop (v2sf);
	(v2sf) =	vpush v2, $0xF;
	(pc) =	sbr.rel @p1 .LBB2_8-.Ltmp5, $4  }
0x85: {  	[tilespmem:s1], [sflag:$0x1] =	stream.linear.gather [hbm4b:s6+s2], $0x80, $0x38;
	[tilespmem:$0x1C000] =	vst v63  }
0x86: {  	s7 =	sadd.s32 s4, s7;
	s1 =	sadd.s32 s4, s10;
	s6 =	sand.u32 $0x1FFFFFF0, s11;
	(v2sf) =	vpush v0, $0xC  }
0x87: {  	[tilespmem:s0], [sflag:$0x1] =	stream.linear.gather [hbm4b:s1+s2], $0x80, $0x38;
	[tilespmem:$0x1C000] =	vst v63  }
0x88: {  	s1 =	sadd.s32 $0x4600, s22;
	s0 =	sadd.s32 $0x4680, s22;
	s10 =	spop (v2sf);
	(v2sf) =	vpush v0, $0xD  }
0x89: {  	[tilespmem:s30], [sflag:$0x1] =	stream.linear.gather [hbm4b:s7+s2], $0x80, $0x38;
	[tilespmem:$0x1C000] =	vst v63  }
0x8a: {  	s24 =	sadd.s32 $0x4480, s22;
	s11 =	sadd.s32 $0x4580, s22;
	s12 =	spop (v2sf);
	(v2sf) =	vpush v0, $0xE  }
0x8b: {  	s6 =	sadd.s32 s4, s6;
	s10 =	sand.u32 $0x1FFFFFF0, s10;
	s7 =	sadd.s32 $0x4500, s22  }
0x8c: {  	(v2sf) =	vpush v0, $0xF;
	[tilespmem:s24], [sflag:$0x1] =	stream.linear.gather [hbm4b:s6+s2], $0x80, $0x38;
	[tilespmem:$0x1C000] =	vst v63  }
0x8d: {  	s12 =	sand.u32 $0x1FFFFFF0, s12;
	s10 =	sadd.s32 s4, s10;
	s13 =	spop (v2sf)  }
0x8e: {  	[tilespmem:s7], [sflag:$0x1] =	stream.linear.gather [hbm4b:s10+s2], $0x80, $0x38;
	[tilespmem:$0x1C000] =	vst v63  }
0x8f: {  	s14 =	sadd.s32 s4, s12;
	s15 =	sand.u32 $0x1FFFFFF0, s13;
	s16 =	spop (v2sf)  }
0x90: {  	[tilespmem:s11], [sflag:$0x1] =	stream.linear.gather [hbm4b:s14+s2], $0x80, $0x38;
	[tilespmem:$0x1C000] =	vst v63  }
0x91: {  	s17 =	sadd.s32 s4, s15;
	s23 =	sand.u32 $0x1FFFFFF0, s16;
	s24 =	spop (v2sf)  }
0x92: {  	[tilespmem:s1], [sflag:$0x1] =	stream.linear.gather [hbm4b:s17+s2], $0x80, $0x38;
	[tilespmem:$0x1C000] =	vst v63  }
0x93: {  	s7 =	sadd.s32 s4, s23;
	s10 =	sand.u32 $0x1FFFFFF0, s24;
	s11 =	spop (v2sf)  }
0x94: {  	[tilespmem:s0], [sflag:$0x1] =	stream.linear.gather [hbm4b:s7+s2], $0x80, $0x38;
	[tilespmem:$0x1C000] =	vst v63  }
0x95: {  	s12 =	sadd.s32 s4, s10;
	s13 =	sand.u32 $0x1FFFFFF0, s11;
	s14 =	spop (v2sf)  }
0x96: {  	[tilespmem:s31], [sflag:$0x1] =	stream.linear.gather [hbm4b:s12+s2], $0x80, $0x38;
	[tilespmem:$0x1C000] =	vst v63  }
0x97: {  	s15 =	sadd.s32 s4, s13;
	s16 =	sand.u32 $0x1FFFFFF0, s14;
	s17 =	spop (v2sf)  }
0x98: {  	[tilespmem:s29], [sflag:$0x1] =	stream.linear.gather [hbm4b:s15+s2], $0x80, $0x38;
	[tilespmem:$0x1C000] =	vst v63  }
0x99: {  	s23 =	sadd.s32 s4, s16;
	s24 =	sand.u32 $0x1FFFFFF0, s17;
	s31 =	spop (v2sf)  }
0x9a: {  	[tilespmem:s28], [sflag:$0x1] =	stream.linear.gather [hbm4b:s23+s2], $0x80, $0x38;
	[tilespmem:$0x1C000] =	vst v63  }
0x9b: {  	s1 =	sadd.s32 s4, s24;
	s6 =	sand.u32 $0x1FFFFFF0, s31;
	s7 =	spop (v2sf)  }
0x9c: {  	[tilespmem:s25], [sflag:$0x1] =	stream.linear.gather [hbm4b:s1+s2], $0x80, $0x38;
	[tilespmem:$0x1C000] =	vst v63  }
0x9d: {  	s10 =	sadd.s32 $0x4900, s22;
	s1 =	sadd.s32 s4, s6;
	s6 =	sand.u32 $0x1FFFFFF0, s7  }
0x9e: {  	[tilespmem:s10], [sflag:$0x1] =	stream.linear.gather [hbm4b:s1+s2], $0x80, $0x38;
	[tilespmem:$0x1C000] =	vst v63  }
0x9f: {  	s11 =	sadd.s32 $0x4980, s22;
	s13 =	sadd.s32 s3, s20;
	s12 =	sadd.s32 s4, s6  }
0xa0: {  	[tilespmem:s11], [sflag:$0x1] =	stream.linear.gather [hbm4b:s12+s2], $0x80, $0x38;
	[tilespmem:$0x1C000] =	vst v63  }
0xa1: {  	s0 =	smul.u32 $0x180, s13;
	_ =	swait.ge [sflag:s9], $0xA000  }
0xa2: {  	[sflag:s9] =	ssyncset.done $0x0  }
0xa3: {  	s14 =	simm.s32 $0x4000;
	s0 =	sadd.s32 s5, s0;
	[sflag:s9] =	ssyncadd.s32 $0xFFFF6000  }
0xa4: {  	[hbm4b:s0+s2] =	stream.linear.scatter [tilespmem:s14], [sflag:$0x3], $0xA00, $0x38;
	[tilespmem:$0x1C000] =	vst v63  }
0xa5: {  	s16 =	simm.s32 $0x4C00;
	s15 =	sadd.s32 $0x180, s0  }
0xa6: {  	[hbm4b:s15+s2] =	stream.linear.scatter [tilespmem:s16], [sflag:$0x3], $0xA00, $0x38;
	[tilespmem:$0x1C000] =	vst v63  }
0xa7: {  	s22 =	simm.s32 $0x5800;
	s17 =	sadd.s32 $0x300, s0  }
0xa8: {  	[hbm4b:s17+s2] =	stream.linear.scatter [tilespmem:s22], [sflag:$0x3], $0xA00, $0x38;
	[tilespmem:$0x1C000] =	vst v63  }
0xa9: {  	s23 =	sadd.s32 $0x480, s0;
	s24 =	simm.s32 $0x6400  }
0xaa: {  	[hbm4b:s23+s2] =	stream.linear.scatter [tilespmem:s24], [sflag:$0x3], $0xA00, $0x38;
	[tilespmem:$0x1C000] =	vst v63  }
0xab: {  	s31 =	simm.s32 $0x7000;
	s25 =	sadd.s32 $0x600, s0  }
0xac: {  	[hbm4b:s25+s2] =	stream.linear.scatter [tilespmem:s31], [sflag:$0x3], $0xA00, $0x38;
	[tilespmem:$0x1C000] =	vst v63  }
0xad: {  	s7 =	sadd.s32 $0x780, s0;
	s10 =	simm.s32 $0x7C00  }
0xae: {  	[hbm4b:s7+s2] =	stream.linear.scatter [tilespmem:s10], [sflag:$0x3], $0xA00, $0x38;
	[tilespmem:$0x1C000] =	vst v63  }
0xaf: {  	s11 =	sadd.s32 $0x900, s0;
	s12 =	simm.s32 $0x8800  }
0xb0: {  	[hbm4b:s11+s2] =	stream.linear.scatter [tilespmem:s12], [sflag:$0x3], $0xA00, $0x38;
	[tilespmem:$0x1C000] =	vst v63  }
0xb1: {  	s13 =	sadd.s32 $0xA80, s0;
	s14 =	simm.s32 $0x9400  }
0xb2: {  	[hbm4b:s13+s2] =	stream.linear.scatter [tilespmem:s14], [sflag:$0x3], $0xA00, $0x38;
	[tilespmem:$0x1C000] =	vst v63  }
0xb3: {  	s15 =	sadd.s32 $0xC00, s0;
	s16 =	simm.s32 $0xA000  }
0xb4: {  	[hbm4b:s15+s2] =	stream.linear.scatter [tilespmem:s16], [sflag:$0x3], $0xA00, $0x38;
	[tilespmem:$0x1C000] =	vst v63  }
0xb5: {  	s17 =	sadd.s32 $0xD80, s0;
	s22 =	simm.s32 $0xAC00  }
0xb6: {  	[hbm4b:s17+s2] =	stream.linear.scatter [tilespmem:s22], [sflag:$0x3], $0xA00, $0x38;
	[tilespmem:$0x1C000] =	vst v63  }
0xb7: {  	s23 =	sadd.s32 $0xF00, s0;
	s24 =	simm.s32 $0xB800  }
0xb8: {  	[hbm4b:s23+s2] =	stream.linear.scatter [tilespmem:s24], [sflag:$0x3], $0xA00, $0x38;
	[tilespmem:$0x1C000] =	vst v63  }
0xb9: {  	s25 =	sadd.s32 $0x1080, s0;
	s31 =	simm.s32 $0xC400  }
0xba: {  	[hbm4b:s25+s2] =	stream.linear.scatter [tilespmem:s31], [sflag:$0x3], $0xA00, $0x38;
	[tilespmem:$0x1C000] =	vst v63  }
0xbb: {  	s7 =	sadd.s32 $0x1200, s0;
	s10 =	simm.s32 $0xD000  }
0xbc: {  	[hbm4b:s7+s2] =	stream.linear.scatter [tilespmem:s10], [sflag:$0x3], $0xA00, $0x38;
	[tilespmem:$0x1C000] =	vst v63  }
0xbd: {  	s11 =	sadd.s32 $0x1380, s0;
	s12 =	simm.s32 $0xDC00  }
0xbe: {  	[hbm4b:s11+s2] =	stream.linear.scatter [tilespmem:s12], [sflag:$0x3], $0xA00, $0x38;
	[tilespmem:$0x1C000] =	vst v63  }
0xbf: {  	s13 =	sadd.s32 $0x1500, s0;
	s14 =	simm.s32 $0xE800  }
0xc0: {  	[hbm4b:s13+s2] =	stream.linear.scatter [tilespmem:s14], [sflag:$0x3], $0xA00, $0x38;
	[tilespmem:$0x1C000] =	vst v63  }
0xc1: {  	s0 =	sadd.s32 $0x1680, s0;
	s15 =	simm.s32 $0xF400  }
0xc2: {  	[hbm4b:s0+s2] =	stream.linear.scatter [tilespmem:s15], [sflag:$0x3], $0xA00, $0x38;
	[tilespmem:$0x1C000] =	vst v63  }
0xc3: {  	s0 =	simm.s32 @!p0 $0x4  }
0xc4: {  	_ =	swait.ge @!p0 [sflag:s0], $0xA000  }
0xc5: {  	[sflag:s0] =	ssyncset.done @!p0 $0x0  }
0xc6: {  	s16 =	sadd.s32 $0x804, s21;
	[sflag:s0] =	ssyncadd.s32 @!p0 $0xFFFF6000  }
0xc7: {  	v0 =	vld [tilespmem:s16+$0xFFFFFFFC];
	_ =	sdelay $0x4  }
0xc8: {  	v1 =	vshll.u32 v0, $0x4  }
0xc9: {  	(v2sf) =	vpush v1, $0x2  }
0xca: {  	(v2sf) =	vpush v1, $0x0  }
0xcb: {  	(v2sf) =	vpush v1, $0x1;
	_ =	sdelay $0x4  }
0xcc: {  	(v2sf) =	vpush v1, $0x3;
	_ =	sdelay $0x2  }
0xcd: {  	(v2sf) =	vpush v1, $0x4;
	_ =	sdelay $0x1  }
0xce: {  	(v2sf) =	vpush v1, $0x5  }
0xcf: {  	(v2sf) =	vpush v1, $0x6;
	_ =	sdelay $0x1  }
0xd0: {  	s25 =	spop (v2sf)  }
0xd1: {  	s13 =	spop (v2sf)  }
0xd2: {  	s13 =	sand.u32 $0x1FFFFFF0, s13;
	s15 =	spop (v2sf)  }
0xd3: {  	s17 =	simm.s32 $0x10000;
	s13 =	sadd.s32 s4, s13;
	s15 =	sand.u32 $0x1FFFFFF0, s15  }
0xd4: {  	v0 =	vld [tilespmem:s16+$0x0];
	[tilespmem:s17], [sflag:$0x2] =	stream.linear.gather [hbm4b:s13+s2], $0x80, $0x38  }
0xd5: {  	s23 =	simm.s32 $0x10080;
	(v2sf) =	vpush v1, $0x7;
	s15 =	sadd.s32 s4, s15  }
0xd6: {  	(v2sf) =	vpush v1, $0x8;
	[tilespmem:s23], [sflag:$0x2] =	stream.linear.gather [hbm4b:s15+s2], $0x80, $0x38;
	[tilespmem:$0x1C000] =	vst v63  }
0xd7: {  	s24 =	simm.s32 $0x10100;
	s10 =	sand.u32 $0x1FFFFFF0, s25;
	s15 =	spop (v2sf)  }
0xd8: {  	s31 =	simm.s32 $0x10180;
	s0 =	sadd.s32 s4, s10;
	s6 =	sand.u32 $0x1FFFFFF0, s15  }
0xd9: {  	[tilespmem:s24], [sflag:$0x2] =	stream.linear.gather [hbm4b:s0+s2], $0x80, $0x38;
	[tilespmem:$0x1C000] =	vst v63  }
0xda: {  	(v2sf) =	vpush v1, $0x9;
	s23 =	sadd.s32 $0x80, s16;
	s16 =	spop (v2sf);
	s6 =	sadd.s32 s4, s6  }
0xdb: {  	[tilespmem:s31], [sflag:$0x2] =	stream.linear.gather [hbm4b:s6+s2], $0x80, $0x38;
	[tilespmem:$0x1C000] =	vst v63  }
0xdc: {  	(v2sf) =	vpush v1, $0xA;
	s31 =	spop (v2sf)  }
0xdd: {  	s10 =	spop (v2sf);
	(v2sf) =	vpush v1, $0xB  }
0xde: {  	s30 =	simm.s32 $0x10700;
	s20 =	sor.u32 $0x10, s20  }
0xdf: {  	s29 =	simm.s32 $0x10400;
	s28 =	simm.s32 $0x10780;
	s1 =	simm.s32 $0x10200  }
0xe0: {  	s21 =	simm.s32 $0x0;
	s22 =	simm.s32 $0x3000;
	s11 =	simm.s32 $0x10380  }
0xe1: {  	s12 =	simm.s32 $0x10300;
	s14 =	simm.s32 $0x10280;
	s17 =	sand.u32 $0x1FFFFFF0, s16;
	(v2sf) =	vpush v1, $0xC  }
0xe2: {  	s25 =	simm.s32 $0x10800;
	s24 =	simm.s32 $0x10880;
	s0 =	sadd.s32 s4, s17  }
0xe3: {  	[tilespmem:s1], [sflag:$0x2] =	stream.linear.gather [hbm4b:s0+s2], $0x80, $0x38;
	(v2sf) =	vpush v1, $0xD;
	[tilespmem:$0x1C000] =	vst v63  }
0xe4: {  	s7 =	sand.u32 $0x1FFFFFF0, s31;
	s1 =	sand.u32 $0x1FFFFFF0, s10;
	s13 =	spop (v2sf)  }
0xe5: {  	s0 =	sadd.s32 s4, s7;
	s15 =	sand.u32 $0x1FFFFFF0, s13;
	s16 =	spop (v2sf);
	(v2sf) =	vpush v1, $0xE  }
0xe6: {  	[tilespmem:s14], [sflag:$0x2] =	stream.linear.gather [hbm4b:s0+s2], $0x80, $0x38;
	[tilespmem:$0x1C000] =	vst v63  }
0xe7: {  	s1 =	sadd.s32 s4, s1;
	s17 =	sand.u32 $0x1FFFFFF0, s16;
	s0 =	sadd.s32 s4, s15;
	(v2sf) =	vpush v1, $0xF  }
0xe8: {  	v0 =	vshll.u32 v0, $0x4;
	[tilespmem:s12], [sflag:$0x2] =	stream.linear.gather [hbm4b:s1+s2], $0x80, $0x38;
	[tilespmem:$0x1C000] =	vst v63  }
0xe9: {  	s7 =	sadd.s32 s4, s17;
	(v2sf) =	vpush v0, $0xC;
	s1 =	simm.s32 $0x10600;
	s31 =	spop (v2sf)  }
0xea: {  	[tilespmem:s11], [sflag:$0x2] =	stream.linear.gather [hbm4b:s0+s2], $0x80, $0x38;
	[tilespmem:$0x1C000] =	vst v63  }
0xeb: {  	(v2sf) =	vpush v0, $0xD;
	s6 =	sand.u32 $0x1FFFFFF0, s31;
	s0 =	simm.s32 $0x10680;
	s10 =	spop (v2sf)  }
.LBB2_10:
0xec: {  	s11 =	sadd.s32 $0x10480, s21;
	s12 =	sadd.s32 $0x10580, s21;
	s13 =	spop (v2sf)  }
0xed: {  	[tilespmem:s29], [sflag:$0x2] =	stream.linear.gather [hbm4b:s7+s2], $0x80, $0x38;
	(v2sf) =	vpush v0, $0xE;
	[tilespmem:$0x1C000] =	vst v63  }
0xee: {  	s6 =	sadd.s32 s4, s6;
	s7 =	sand.u32 $0x1FFFFFF0, s10;
	s10 =	sand.u32 $0x1FFFFFF0, s13  }
0xef: {  	[tilespmem:s11], [sflag:$0x2] =	stream.linear.gather [hbm4b:s6+s2], $0x80, $0x38;
	(v2sf) =	vpush v0, $0xF;
	[tilespmem:$0x1C000] =	vst v63  }
0xf0: {  	s7 =	sadd.s32 s4, s7;
	s6 =	sadd.s32 $0x10500, s21;
	s11 =	spop (v2sf)  }
0xf1: {  	[tilespmem:s6], [sflag:$0x2] =	stream.linear.gather [hbm4b:s7+s2], $0x80, $0x38;
	[tilespmem:$0x1C000] =	vst v63  }
0xf2: {  	s6 =	sadd.s32 s4, s10;
	s7 =	sand.u32 $0x1FFFFFF0, s11;
	s10 =	spop (v2sf)  }
0xf3: {  	[tilespmem:s12], [sflag:$0x2] =	stream.linear.gather [hbm4b:s6+s2], $0x80, $0x38;
	[tilespmem:$0x1C000] =	vst v63  }
0xf4: {  	s6 =	sadd.s32 s4, s7;
	s7 =	sand.u32 $0x1FFFFFF0, s10;
	s10 =	spop (v2sf)  }
0xf5: {  	[tilespmem:s1], [sflag:$0x2] =	stream.linear.gather [hbm4b:s6+s2], $0x80, $0x38;
	[tilespmem:$0x1C000] =	vst v63  }
0xf6: {  	s1 =	sadd.s32 s4, s7;
	s6 =	sand.u32 $0x1FFFFFF0, s10;
	s7 =	spop (v2sf)  }
0xf7: {  	[tilespmem:s0], [sflag:$0x2] =	stream.linear.gather [hbm4b:s1+s2], $0x80, $0x38;
	[tilespmem:$0x1C000] =	vst v63  }
0xf8: {  	s0 =	sadd.s32 s4, s6;
	s1 =	sand.u32 $0x1FFFFFF0, s7;
	s6 =	spop (v2sf)  }
0xf9: {  	[tilespmem:s30], [sflag:$0x2] =	stream.linear.gather [hbm4b:s0+s2], $0x80, $0x38;
	[tilespmem:$0x1C000] =	vst v63  }
0xfa: {  	s0 =	sadd.s32 s4, s1;
	s1 =	sand.u32 $0x1FFFFFF0, s6;
	s6 =	spop (v2sf)  }
0xfb: {  	[tilespmem:s28], [sflag:$0x2] =	stream.linear.gather [hbm4b:s0+s2], $0x80, $0x38;
	[tilespmem:$0x1C000] =	vst v63  }
0xfc: {  	s0 =	sadd.s32 s4, s1;
	s1 =	sand.u32 $0x1FFFFFF0, s6;
	s6 =	spop (v2sf)  }
0xfd: {  	[tilespmem:s25], [sflag:$0x2] =	stream.linear.gather [hbm4b:s0+s2], $0x80, $0x38;
	[tilespmem:$0x1C000] =	vst v63  }
0xfe: {  	s0 =	sadd.s32 s4, s1;
	s1 =	sand.u32 $0x1FFFFFF0, s6;
	s6 =	spop (v2sf)  }
0xff: {  	[tilespmem:s24], [sflag:$0x2] =	stream.linear.gather [hbm4b:s0+s2], $0x80, $0x38;
	[tilespmem:$0x1C000] =	vst v63  }
0x100: {  	s1 =	sadd.s32 s4, s1;
	s0 =	sadd.s32 $0x10900, s21;
	s6 =	sand.u32 $0x1FFFFFF0, s6  }
0x101: {  	[tilespmem:s0], [sflag:$0x2] =	stream.linear.gather [hbm4b:s1+s2], $0x80, $0x38;
	[tilespmem:$0x1C000] =	vst v63  }
0x102: {  	p0 =	sne.s32 s22, $0x2D000;
	s0 =	sadd.s32 $0x10980, s21;
	s1 =	sadd.s32 s4, s6  }
0x103: {  	[tilespmem:s0], [sflag:$0x2] =	stream.linear.gather [hbm4b:s1+s2], $0x80, $0x38;
	[tilespmem:$0x1C000] =	vst v63  }
0x104: {  	s0 =	smov.u32 s22;
	s22 =	sadd.s32 $0x3000, s22;
	v0 =	vld [tilespmem:s23+$0xFFFFFFFC]  }
0x105: {  	s21 =	sshra.s32 s0, $0x2  }
0x106: {  	v1 =	vld [tilespmem:s23+$0x0]  }
0x107: {  	s12 =	sadd.s32 $0x10000, s21;
	s11 =	sadd.s32 $0x10080, s21;
	_ =	sdelay $0x1  }
0x108: {  	s6 =	sadd.s32 $0x10100, s21;
	v2 =	vshll.u32 v0, $0x4  }
0x109: {  	s0 =	sadd.s32 $0x10380, s21;
	(v2sf) =	vpush v2, $0x2  }
0x10a: {  	v0 =	vshll.u32 v1, $0x4;
	(v2sf) =	vpush v2, $0x0  }
0x10b: {  	s1 =	sadd.s32 $0x10300, s21;
	(v2sf) =	vpush v2, $0x1  }
0x10c: {  	s7 =	sadd.s32 $0x10280, s21;
	s29 =	sadd.s32 $0x10400, s21;
	(v2sf) =	vpush v2, $0x3  }
0x10d: {  	s10 =	sadd.s32 $0x10200, s21  }
0x10e: {  	s13 =	sadd.s32 $0x10180, s21;
	(v2sf) =	vpush v2, $0x4;
	_ =	sdelay $0x1  }
0x10f: {  	(v2sf) =	vpush v2, $0x5;
	_ =	sdelay $0x1  }
0x110: {  	(v2sf) =	vpush v2, $0x6;
	_ =	sdelay $0x1  }
0x111: {  	(v2sf) =	vpush v2, $0x7;
	_ =	sdelay $0x1  }
0x112: {  	(v2sf) =	vpush v2, $0x8  }
0x113: {  	s23 =	sadd.s32 $0x80, s23  }
0x114: {  	s25 =	sadd.s32 $0x10800, s21;
	s24 =	sadd.s32 $0x10880, s21;
	s14 =	spop (v2sf);
	(v2sf) =	vpush v2, $0x9  }
0x115: {  	s28 =	sadd.s32 $0x10780, s21;
	s14 =	sand.u32 $0x1FFFFFF0, s14;
	s15 =	spop (v2sf)  }
0x116: {  	s30 =	sadd.s32 $0x10700, s21;
	s15 =	sand.u32 $0x1FFFFFF0, s15;
	s16 =	spop (v2sf)  }
0x117: {  	s15 =	sadd.s32 s4, s15;
	s16 =	sand.u32 $0x1FFFFFF0, s16;
	s17 =	spop (v2sf)  }
0x118: {  	[tilespmem:s12], [sflag:$0x2] =	stream.linear.gather [hbm4b:s15+s2], $0x80, $0x38;
	(v2sf) =	vpush v2, $0xA;
	[tilespmem:$0x1C000] =	vst v63  }
0x119: {  	s12 =	sadd.s32 s4, s16;
	s15 =	sand.u32 $0x1FFFFFF0, s17;
	s16 =	spop (v2sf);
	(v2sf) =	vpush v2, $0xB  }
0x11a: {  	[tilespmem:s11], [sflag:$0x2] =	stream.linear.gather [hbm4b:s12+s2], $0x80, $0x38;
	[tilespmem:$0x1C000] =	vst v63  }
0x11b: {  	s11 =	sadd.s32 s4, s14;
	s12 =	sand.u32 $0x1FFFFFF0, s16;
	s14 =	spop (v2sf)  }
0x11c: {  	[tilespmem:s6], [sflag:$0x2] =	stream.linear.gather [hbm4b:s11+s2], $0x80, $0x38;
	[tilespmem:$0x1C000] =	vst v63  }
0x11d: {  	s6 =	sadd.s32 s4, s15;
	s11 =	sand.u32 $0x1FFFFFF0, s14;
	s14 =	spop (v2sf);
	(v2sf) =	vpush v2, $0xC  }
0x11e: {  	[tilespmem:s13], [sflag:$0x2] =	stream.linear.gather [hbm4b:s6+s2], $0x80, $0x38;
	[tilespmem:$0x1C000] =	vst v63  }
0x11f: {  	s6 =	sadd.s32 s4, s12;
	s12 =	sand.u32 $0x1FFFFFF0, s14;
	s13 =	spop (v2sf);
	(v2sf) =	vpush v2, $0xD  }
0x120: {  	[tilespmem:s10], [sflag:$0x2] =	stream.linear.gather [hbm4b:s6+s2], $0x80, $0x38;
	[tilespmem:$0x1C000] =	vst v63  }
0x121: {  	s6 =	sadd.s32 s4, s11;
	s10 =	sand.u32 $0x1FFFFFF0, s13;
	s11 =	spop (v2sf);
	(v2sf) =	vpush v2, $0xE  }
0x122: {  	[tilespmem:s7], [sflag:$0x2] =	stream.linear.gather [hbm4b:s6+s2], $0x80, $0x38;
	[tilespmem:$0x1C000] =	vst v63  }
0x123: {  	s6 =	sadd.s32 s4, s12  }
.Ltmp6:
0x124: {  	s7 =	sand.u32 $0x1FFFFFF0, s11;
	s11 =	spop (v2sf);
	(v2sf) =	vpush v2, $0xF;
	(pc) =	sbr.rel @p0 .LBB2_10-.Ltmp6, $4  }
0x125: {  	[tilespmem:s1], [sflag:$0x2] =	stream.linear.gather [hbm4b:s6+s2], $0x80, $0x38;
	[tilespmem:$0x1C000] =	vst v63  }
0x126: {  	s7 =	sadd.s32 s4, s7;
	s1 =	sadd.s32 s4, s10;
	s6 =	sand.u32 $0x1FFFFFF0, s11;
	(v2sf) =	vpush v0, $0xC  }
0x127: {  	[tilespmem:s0], [sflag:$0x2] =	stream.linear.gather [hbm4b:s1+s2], $0x80, $0x38;
	[tilespmem:$0x1C000] =	vst v63  }
0x128: {  	s1 =	sadd.s32 $0x10600, s21;
	s0 =	sadd.s32 $0x10680, s21;
	s10 =	spop (v2sf);
	(v2sf) =	vpush v0, $0xD  }
0x129: {  	[tilespmem:s29], [sflag:$0x2] =	stream.linear.gather [hbm4b:s7+s2], $0x80, $0x38;
	[tilespmem:$0x1C000] =	vst v63  }
0x12a: {  	s15 =	sadd.s32 $0x10480, s21;
	s6 =	sadd.s32 s4, s6;
	s16 =	sand.u32 $0x1FFFFFF0, s10  }
0x12b: {  	[tilespmem:s15], [sflag:$0x2] =	stream.linear.gather [hbm4b:s6+s2], $0x80, $0x38;
	[tilespmem:$0x1C000] =	vst v63  }
0x12c: {  	s17 =	sadd.s32 $0x10500, s21;
	s22 =	spop (v2sf);
	s6 =	sadd.s32 s4, s16  }
0x12d: {  	[tilespmem:s17], [sflag:$0x2] =	stream.linear.gather [hbm4b:s6+s2], $0x80, $0x38;
	[tilespmem:$0x1C000] =	vst v63  }
0x12e: {  	s6 =	sand.u32 $0x1FFFFFF0, s22  }
0x12f: {  	s23 =	sadd.s32 $0x10580, s21;
	s29 =	spop (v2sf);
	s6 =	sadd.s32 s4, s6  }
0x130: {  	[tilespmem:s23], [sflag:$0x2] =	stream.linear.gather [hbm4b:s6+s2], $0x80, $0x38;
	[tilespmem:$0x1C000] =	vst v63  }
0x131: {  	s6 =	sand.u32 $0x1FFFFFF0, s29  }
0x132: {  	s31 =	spop (v2sf);
	s6 =	sadd.s32 s4, s6  }
0x133: {  	[tilespmem:s1], [sflag:$0x2] =	stream.linear.gather [hbm4b:s6+s2], $0x80, $0x38;
	[tilespmem:$0x1C000] =	vst v63  }
0x134: {  	(v2sf) =	vpush v0, $0xE;
	s1 =	sand.u32 $0x1FFFFFF0, s31  }
0x135: {  	s6 =	spop (v2sf);
	s1 =	sadd.s32 s4, s1  }
0x136: {  	[tilespmem:s0], [sflag:$0x2] =	stream.linear.gather [hbm4b:s1+s2], $0x80, $0x38;
	[tilespmem:$0x1C000] =	vst v63  }
0x137: {  	s0 =	sand.u32 $0x1FFFFFF0, s6  }
0x138: {  	(v2sf) =	vpush v0, $0xF;
	s7 =	spop (v2sf);
	s0 =	sadd.s32 s4, s0  }
0x139: {  	[tilespmem:s30], [sflag:$0x2] =	stream.linear.gather [hbm4b:s0+s2], $0x80, $0x38;
	[tilespmem:$0x1C000] =	vst v63  }
0x13a: {  	s0 =	sand.u32 $0x1FFFFFF0, s7  }
0x13b: {  	s10 =	spop (v2sf);
	s0 =	sadd.s32 s4, s0  }
0x13c: {  	[tilespmem:s28], [sflag:$0x2] =	stream.linear.gather [hbm4b:s0+s2], $0x80, $0x38;
	[tilespmem:$0x1C000] =	vst v63  }
0x13d: {  	s0 =	sand.u32 $0x1FFFFFF0, s10  }
0x13e: {  	s11 =	spop (v2sf);
	s0 =	sadd.s32 s4, s0  }
0x13f: {  	[tilespmem:s25], [sflag:$0x2] =	stream.linear.gather [hbm4b:s0+s2], $0x80, $0x38;
	[tilespmem:$0x1C000] =	vst v63  }
0x140: {  	s0 =	sand.u32 $0x1FFFFFF0, s11  }
0x141: {  	s0 =	sadd.s32 s4, s0  }
0x142: {  	[tilespmem:s24], [sflag:$0x2] =	stream.linear.gather [hbm4b:s0+s2], $0x80, $0x38;
	[tilespmem:$0x1C000] =	vst v63  }
0x143: {  	s12 =	spop (v2sf)  }
0x144: {  	s0 =	sand.u32 $0x1FFFFFF0, s12  }
0x145: {  	s13 =	sadd.s32 $0x10900, s21;
	s0 =	sadd.s32 s4, s0  }
0x146: {  	[tilespmem:s13], [sflag:$0x2] =	stream.linear.gather [hbm4b:s0+s2], $0x80, $0x38;
	[tilespmem:$0x1C000] =	vst v63  }
0x147: {  	s14 =	spop (v2sf)  }
0x148: {  	s0 =	sand.u32 $0x1FFFFFF0, s14  }
0x149: {  	s15 =	sadd.s32 $0x10980, s21;
	s16 =	sadd.s32 s3, s20;
	s0 =	sadd.s32 s4, s0  }
0x14a: {  	[tilespmem:s15], [sflag:$0x2] =	stream.linear.gather [hbm4b:s0+s2], $0x80, $0x38;
	[tilespmem:$0x1C000] =	vst v63  }
0x14b: {  	s0 =	smul.u32 $0x180, s16;
	_ =	swait.ge [sflag:s26], $0xA000  }
0x14c: {  	[sflag:s26] =	ssyncset.done $0x0  }
0x14d: {  	s17 =	simm.s32 $0x10000;
	s0 =	sadd.s32 s5, s0;
	[sflag:s26] =	ssyncadd.s32 $0xFFFF6000  }
0x14e: {  	[hbm4b:s0+s2] =	stream.linear.scatter [tilespmem:s17], [sflag:$0x4], $0xA00, $0x38;
	[tilespmem:$0x1C000] =	vst v63  }
0x14f: {  	s21 =	simm.s32 $0x10C00;
	s20 =	sadd.s32 $0x180, s0  }
0x150: {  	[hbm4b:s20+s2] =	stream.linear.scatter [tilespmem:s21], [sflag:$0x4], $0xA00, $0x38;
	[tilespmem:$0x1C000] =	vst v63  }
0x151: {  	s23 =	simm.s32 $0x11800;
	s22 =	sadd.s32 $0x300, s0  }
0x152: {  	[hbm4b:s22+s2] =	stream.linear.scatter [tilespmem:s23], [sflag:$0x4], $0xA00, $0x38;
	[tilespmem:$0x1C000] =	vst v63  }
0x153: {  	s25 =	simm.s32 $0x12400;
	s24 =	sadd.s32 $0x480, s0  }
0x154: {  	[hbm4b:s24+s2] =	stream.linear.scatter [tilespmem:s25], [sflag:$0x4], $0xA00, $0x38;
	[tilespmem:$0x1C000] =	vst v63  }
0x155: {  	s29 =	simm.s32 $0x13000;
	s28 =	sadd.s32 $0x600, s0  }
0x156: {  	[hbm4b:s28+s2] =	stream.linear.scatter [tilespmem:s29], [sflag:$0x4], $0xA00, $0x38;
	[tilespmem:$0x1C000] =	vst v63  }
0x157: {  	s31 =	simm.s32 $0x13C00;
	s30 =	sadd.s32 $0x780, s0  }
0x158: {  	[hbm4b:s30+s2] =	stream.linear.scatter [tilespmem:s31], [sflag:$0x4], $0xA00, $0x38;
	[tilespmem:$0x1C000] =	vst v63  }
0x159: {  	s10 =	simm.s32 $0x14800;
	s7 =	sadd.s32 $0x900, s0  }
0x15a: {  	[hbm4b:s7+s2] =	stream.linear.scatter [tilespmem:s10], [sflag:$0x4], $0xA00, $0x38;
	[tilespmem:$0x1C000] =	vst v63  }
0x15b: {  	s12 =	simm.s32 $0x15400;
	s11 =	sadd.s32 $0xA80, s0  }
0x15c: {  	[hbm4b:s11+s2] =	stream.linear.scatter [tilespmem:s12], [sflag:$0x4], $0xA00, $0x38;
	[tilespmem:$0x1C000] =	vst v63  }
0x15d: {  	s14 =	simm.s32 $0x16000;
	s13 =	sadd.s32 $0xC00, s0  }
0x15e: {  	[hbm4b:s13+s2] =	stream.linear.scatter [tilespmem:s14], [sflag:$0x4], $0xA00, $0x38;
	[tilespmem:$0x1C000] =	vst v63  }
0x15f: {  	s16 =	simm.s32 $0x16C00;
	s15 =	sadd.s32 $0xD80, s0  }
0x160: {  	[hbm4b:s15+s2] =	stream.linear.scatter [tilespmem:s16], [sflag:$0x4], $0xA00, $0x38;
	[tilespmem:$0x1C000] =	vst v63  }
0x161: {  	s17 =	sadd.s32 $0xF00, s0;
	s20 =	simm.s32 $0x17800  }
0x162: {  	[hbm4b:s17+s2] =	stream.linear.scatter [tilespmem:s20], [sflag:$0x4], $0xA00, $0x38;
	[tilespmem:$0x1C000] =	vst v63  }
0x163: {  	s21 =	sadd.s32 $0x1080, s0;
	s22 =	simm.s32 $0x18400  }
0x164: {  	[hbm4b:s21+s2] =	stream.linear.scatter [tilespmem:s22], [sflag:$0x4], $0xA00, $0x38;
	[tilespmem:$0x1C000] =	vst v63  }
0x165: {  	s19 =	sadd.s32 $0x1, s19;
	s23 =	sadd.s32 $0x1200, s0;
	s24 =	simm.s32 $0x19000  }
0x166: {  	[hbm4b:s23+s2] =	stream.linear.scatter [tilespmem:s24], [sflag:$0x4], $0xA00, $0x38;
	[tilespmem:$0x1C000] =	vst v63  }
0x167: {  	p0 =	sne.s32 s19, $0x10;
	s25 =	sadd.s32 $0x1380, s0;
	s28 =	simm.s32 $0x19C00  }
0x168: {  	[hbm4b:s25+s2] =	stream.linear.scatter [tilespmem:s28], [sflag:$0x4], $0xA00, $0x38;
	[tilespmem:$0x1C000] =	vst v63  }
.Ltmp7:
0x169: {  	_ = 	snop;
	(pc) =	sbr.rel @p0 .LBB2_2-.Ltmp7, $4  }
.Ltmp8:
0x16a: {  	s29 =	sadd.s32 $0x1500, s0;
	s30 =	simm.s32 $0x1A800;
	(pc) =	sbr.rel @!p0 .LBB2_12-.Ltmp8, $4  }
0x16b: {  	[hbm4b:s29+s2] =	stream.linear.scatter [tilespmem:s30], [sflag:$0x4], $0xA00, $0x38;
	[tilespmem:$0x1C000] =	vst v63  }
0x16c: {  	s0 =	sadd.s32 $0x1680, s0;
	s31 =	simm.s32 $0x1B400  }
0x16d: {  	[hbm4b:s0+s2] =	stream.linear.scatter [tilespmem:s31], [sflag:$0x4], $0xA00, $0x38;
	[tilespmem:$0x1C000] =	vst v63  }
0x16e: {  	_ = 	snop  }
.LBB2_6:
.Ltmp9:
0x16f: {  	(pc) =	sbr.rel .LBB2_7-.Ltmp9, $2  }
0x170: {  	_ =	sdelay $0x2  }
0x171: {  	p0 =	por $0x1, $0x1;
	s20 =	simm.s32 $0x0  }
.LBB2_13:
0x172: {  	_ =	sfence.sel $0x180000  }
0x173: {  	[bflag:$0x0] =	sbarrier.arrive $0xFFFF  }
0x174: {  	_ =	strace $0x90000047  }
0x175: {  	s0 =	stileid.u32;
	[bflag:$0x2] =	sbarrier.arrive $0xFFFF  }
0x176: {  	p0 =	sne.s32 s0, $0x0;
	s0 =	rddreg [dreg:$0x2]  }
0x177: {  	s0 =	sadd.s32 @!p0 $0x100000, s0  }
0x178: {  	[sflag:s0] =	ssyncadd.tile.s32 @!p0 $0x1;
	_ =	shalt  }
.Lfunc_end2:
_tile_overlayer_lowered:
.L_overlay_start_2:
0x179: {  	(tag) =	ssettag $0x2  }
0x17a: {  	s0 =	rddreg [dreg:$0x0];
	s2 =	stileid.u32  }
0x17b: {  	s1 =	rddreg [dreg:$0x1];
	p0 =	sne.s32 s2, $0x0  }
0x17c: {  	s3 =	rddreg [dreg:$0x2];
	[bflag:$0x3] =	sbarrier.arrive $0xFFFF;
	s2 =	simm.s32 @!p0 $0x1C05  }
0x17d: {  	[timem:s3], [sflag:s2] =	dma.local @!p0 [hbm:s0], s1  }
0x17e: {  	s0 =	simm.s32 @!p0 $0x5  }
0x17f: {  	_ =	swait.ge @!p0 [sflag:s0], s1  }
0x180: {  	s1 =	ssub.s32 @!p0 $0x0, s1;
	[sflag:s0] =	ssyncset.done @!p0 $0x0  }
0x181: {  	[sflag:s0] =	ssyncadd.s32 @!p0 s1  }
0x182: {  	[bflag:$0x3] =	sbarrier.arrive $0xFFFF  }
0x183: {  	_ =	shalt  }

</sc_bundles>
